<compile_context>
chip_gen: v7x
topology: tpu7x:2x2x1
jax: 0.10.2.dev20260603
libtpu: 0.0.44.dev20260713+nightly
codegen_flags: <defaults>
</compile_context>

<pallas_src>
import functools

import jax
import jax.numpy as jnp
from jax import lax
from jax.experimental import pallas as pl
from jax.experimental.pallas import tpu as pltpu
from jax.experimental.pallas import tpu_sc as plsc

B, S = 64, 4096
L = 16
NCHUNK = S // L
NW = 32
ROWS_PER_W = B // NW
PAD = L
K = 5
W_AMP, W_PITCH = 0.8, 1.2
GAIN_UP, GAIN_DOWN = 1.5, 0.7


def _body(amp_hbm, pitch_hbm, bnd_hbm, out_hbm, a_v, p_v, b_v, sal_v, sm_v, o_v):
    cid = lax.axis_index("c")
    sid = lax.axis_index("s")
    wid = sid * 2 + cid

    iota = lax.broadcasted_iota(jnp.int32, (L,), 0)
    neg = jnp.full((L,), -1.0, jnp.float32)
    big = jnp.full((L,), 1e30, jnp.float32)
    zero = jnp.zeros((L,), jnp.float32)

    for rr in range(ROWS_PER_W):
        row = wid * ROWS_PER_W + rr
        base = row * S
        pltpu.sync_copy(amp_hbm.at[pl.ds(base, S)], a_v)
        pltpu.sync_copy(pitch_hbm.at[pl.ds(base, S)], p_v)
        pltpu.sync_copy(bnd_hbm.at[pl.ds(base, S)], b_v)

        def p1(j, carry):
            off = j * L
            sal = (W_AMP * a_v[pl.ds(off, L)] + W_PITCH * p_v[pl.ds(off, L)]) \
                + b_v[pl.ds(off, L)]
            sal_v[pl.ds(PAD + off, L)] = sal
            return carry
        lax.fori_loop(0, NCHUNK, p1, 0)

        sal_v[pl.ds(0, L)] = jnp.broadcast_to(sal_v[pl.ds(PAD, L)][0], (L,))
        sal_v[pl.ds(PAD + S, L)] = jnp.broadcast_to(
            sal_v[pl.ds(PAD + S - L, L)][L - 1], (L,))

        def p2(j, carry):
            m0, m1, m2, m3, m4, vmn, vsum = carry
            b2 = PAD + j * L - 2
            acc = sal_v[pl.ds(b2, L)]
            acc = acc + sal_v[pl.ds(b2 + 1, L)]
            acc = acc + sal_v[pl.ds(b2 + 2, L)]
            acc = acc + sal_v[pl.ds(b2 + 3, L)]
            acc = acc + sal_v[pl.ds(b2 + 4, L)]
            sm = acc / 5.0
            sm_v[pl.ds(j * L, L)] = sm
            vmn = jnp.minimum(vmn, sm)
            vsum = vsum + sm
            t = sm
            hi = jnp.maximum(m0, t); t = jnp.minimum(m0, t); m0 = hi
            hi = jnp.maximum(m1, t); t = jnp.minimum(m1, t); m1 = hi
            hi = jnp.maximum(m2, t); t = jnp.minimum(m2, t); m2 = hi
            hi = jnp.maximum(m3, t); t = jnp.minimum(m3, t); m3 = hi
            m4 = jnp.maximum(m4, t)
            return (m0, m1, m2, m3, m4, vmn, vsum)

        m0, m1, m2, m3, m4, vmn, vsum = lax.fori_loop(
            0, NCHUNK, p2, (neg, neg, neg, neg, neg, big, zero))

        mn = jnp.broadcast_to(jnp.min(vmn), (L,))
        s_all = jnp.broadcast_to(jnp.sum(vsum), (L,))

        w0, w1, w2, w3, w4 = m0, m1, m2, m3, m4
        s_top = zero
        g = zero
        for _ in range(K):
            g = jnp.broadcast_to(jnp.max(w0), (L,))
            s_top = s_top + g
            sel = iota == plsc.all_reduce_ffs(w0 == g)
            w0 = jnp.where(sel, w1, w0)
            w1 = jnp.where(sel, w2, w1)
            w2 = jnp.where(sel, w3, w2)
            w3 = jnp.where(sel, w4, w3)
            w4 = jnp.where(sel, neg, w4)
        mx = jnp.broadcast_to(jnp.max(m0), (L,))
        thr = g

        scale = 1.0 / (mx - mn + 1e-8)
        mu = (GAIN_DOWN * scale * (s_all - float(S) * mn)
              + (GAIN_UP - GAIN_DOWN) * scale * (s_top - float(K) * mn)) \
            / float(S)
        c_up = GAIN_UP * scale * mu
        c_dn = GAIN_DOWN * scale * mu

        def p3(j, carry):
            sm = sm_v[pl.ds(j * L, L)]
            o_v[pl.ds(j * L, L)] = (sm - mn) * jnp.where(sm >= thr, c_up, c_dn)
            return carry
        lax.fori_loop(0, NCHUNK, p3, 0)

        pltpu.sync_copy(o_v, out_hbm.at[pl.ds(base, S)])


@jax.jit
def _bridge(amp, pitch, boundary):
    mesh = plsc.VectorSubcoreMesh(core_axis_name="c", subcore_axis_name="s")
    kfn = pl.kernel(
        _body,
        out_type=jax.ShapeDtypeStruct((B * S,), jnp.float32),
        mesh=mesh,
        scratch_types=[
            pltpu.VMEM((S,), jnp.float32),
            pltpu.VMEM((S,), jnp.float32),
            pltpu.VMEM((S,), jnp.float32),
            pltpu.VMEM((S + 2 * PAD,), jnp.float32),
            pltpu.VMEM((S,), jnp.float32),
            pltpu.VMEM((S,), jnp.float32),
        ],
        compiler_params=pltpu.CompilerParams(needs_layout_passes=False),
    )
    out = kfn(amp.reshape(B * S), pitch.reshape(B * S), boundary.reshape(B * S))
    return out.reshape(B, S)


def kernel(input_ids, amp, pitch, boundary):
    del input_ids
    return _bridge(amp, pitch, boundary)

# --- scband reference (transcript-rebuilt; emitter-appended) ---
"""Pipeline reference for scband-optimized-prosody-attention-bridge-90314572300888 (READ-ONLY COPY).

The authoritative reference and input builder live on the scoring server;
editing this copy changes nothing except your own understanding.
"""

import jax, jax.numpy as jnp
import numpy as np

B, S = 64, 4096
K = 5
W_AMP, W_PITCH, W_BOUND = 0.8, 1.2, 1.0
SMOOTH = 2
GAIN_UP, GAIN_DOWN = 1.5, 0.7


def setup_inputs(seed: int = 0) -> dict:
    key = jax.random.key(seed)
    k1, k2, k3, k4 = jax.random.split(key, 4)
    return {
        "input_ids": jax.random.randint(k1, (B, S), 0, 32000, dtype=jnp.int32),
        "amp": jax.random.uniform(k2, (B, S), dtype=jnp.float32),
        "pitch": jax.random.uniform(k3, (B, S), dtype=jnp.float32),
        "boundary": jax.random.uniform(k4, (B, S), dtype=jnp.float32),
    }


def _smooth(x, w=SMOOTH):
    # box-filter moving average of width 2*w+1 with edge padding
    padded = jnp.pad(x, ((0, 0), (w, w)), mode='edge')
    acc = jnp.zeros_like(x)
    for i in range(2 * w + 1):
        acc = acc + padded[:, i:i + x.shape[1]]
    return acc / float(2 * w + 1)


def reference(input_ids, amp, pitch, boundary):
    # multi-channel prosody salience (analytical_balanced preset)
    sal = W_AMP * amp + W_PITCH * pitch + W_BOUND * boundary
    sm = _smooth(sal)
    # normalize_salience=True: per-sequence min-max normalization
    mn = jnp.min(sm, axis=-1, keepdims=True)
    mx = jnp.max(sm, axis=-1, keepdims=True)
    sal_n = (sm - mn) / (mx - mn + 1e-8)
    # k-WTA: top-k winners per sequence
    _, winners_idx = jax.lax.top_k(sal_n, K)
    rows = jnp.arange(sal_n.shape[0])[:, None]
    mask = jnp.zeros_like(sal_n).at[rows, winners_idx].set(1.0)
    gains_mult = jnp.where(mask > 0, GAIN_UP, GAIN_DOWN)
    sal_mod = sal_n * gains_mult
    # scalar attention gain per sequence
    mu_scalar = jnp.mean(sal_mod, axis=-1, keepdims=True)
    attention_gains = sal_mod * mu_scalar
    return attention_gains

if __name__ == "__main__":
    import jax
    _d = setup_inputs()
    print(jax.jit(kernel)(*tuple(_d.values())))

</pallas_src>

<mosaic_0001>
#map = affine_map<(d0, d1) -> (0)>
module attributes {stable_mosaic.version = 14 : i64} {
  func.func @_body(%arg0: i32, %arg1: i32, %arg2: memref<262144xf32, #tpu.memory_space<hbm>>, %arg3: memref<262144xf32, #tpu.memory_space<hbm>>, %arg4: memref<262144xf32, #tpu.memory_space<hbm>>, %arg5: memref<262144xf32, #tpu.memory_space<hbm>>, %arg6: memref<4096xf32, #tpu.memory_space<vmem>>, %arg7: memref<4096xf32, #tpu.memory_space<vmem>>, %arg8: memref<4096xf32, #tpu.memory_space<vmem>>, %arg9: memref<4128xf32, #tpu.memory_space<vmem>>, %arg10: memref<4096xf32, #tpu.memory_space<vmem>>, %arg11: memref<4096xf32, #tpu.memory_space<vmem>>) attributes {dimension_semantics = [#tpu.dimension_semantics<core_parallel>, #tpu.dimension_semantics<subcore_parallel>], iteration_bounds = array<i64: 2, 16>, scalar_prefetch = 0 : i64, scratch_operands = 6 : i64, tpu.core_type = #tpu.core_type<sc_vector_subcore>, window_params = [{transform_indices = #map}, {transform_indices = #map}, {transform_indices = #map}, {transform_indices = #map}]} {
    %mul3A = arith.constant 2 : i32
    %mul3A_0 = arith.muli %arg1, %mul3A : i32
    %add3A = arith.addi %mul3A_0, %arg0 : i32
    %iota3A = tpu.iota {dimensions = array<i32: 0>} : vector<16xi32>
    %broadcast_in_dim3A = arith.constant -1.000000e+00 : f32
    %broadcast_in_dim3A_1 = vector.broadcast %broadcast_in_dim3A : f32 to vector<16xf32>
    %broadcast_in_dim3A_2 = arith.constant 1.000000e+30 : f32
    %broadcast_in_dim3A_3 = vector.broadcast %broadcast_in_dim3A_2 : f32 to vector<16xf32>
    %broadcast_in_dim3A_4 = arith.constant 0.000000e+00 : f32
    %broadcast_in_dim3A_5 = vector.broadcast %broadcast_in_dim3A_4 : f32 to vector<16xf32>
    %mul3A_6 = arith.constant 2 : i32
    %mul3A_7 = arith.muli %add3A, %mul3A_6 : i32
    %add3A_8 = arith.constant 0 : i32
    %add3A_9 = arith.addi %mul3A_7, %add3A_8 : i32
    %mul3A_10 = arith.constant 4096 : i32
    %mul3A_11 = arith.muli %add3A_9, %mul3A_10 : i32
    "tpu.region"() ({
      %run_scoped3A = tpu.sem_alloc : memref<!tpu.dma_semaphore, #tpu.memory_space<semaphore_mem>>
      %dma_start3A = tpu.memref_slice %arg2[%mul3A_11] : memref<262144xf32, #tpu.memory_space<hbm>> -> memref<4096xf32, #tpu.memory_space<hbm>>
      %dma_start3A_309 = tpu.memref_slice %arg2[%mul3A_11] : memref<262144xf32, #tpu.memory_space<hbm>> -> memref<4096xf32, #tpu.memory_space<hbm>>
      tpu.enqueue_dma source(%dma_start3A_309 : memref<4096xf32, #tpu.memory_space<hbm>>) target(%arg6 : memref<4096xf32, #tpu.memory_space<vmem>>) target_semaphore(%run_scoped3A : memref<!tpu.dma_semaphore, #tpu.memory_space<semaphore_mem>>)
      %dma_wait3A = tpu.memref_slice %arg2[%mul3A_11] : memref<262144xf32, #tpu.memory_space<hbm>> -> memref<4096xf32, #tpu.memory_space<hbm>>
      %dma_wait3A_310 = tpu.memref_slice %arg2[%mul3A_11] : memref<262144xf32, #tpu.memory_space<hbm>> -> memref<4096xf32, #tpu.memory_space<hbm>>
      tpu.wait_dma2 semaphore(%run_scoped3A : memref<!tpu.dma_semaphore, #tpu.memory_space<semaphore_mem>>) src(%dma_wait3A_310 : memref<4096xf32, #tpu.memory_space<hbm>>) dst(%arg6 : memref<4096xf32, #tpu.memory_space<vmem>>)
      tpu.yield
    }) : () -> ()
    "tpu.region"() ({
      %run_scoped3A = tpu.sem_alloc : memref<!tpu.dma_semaphore, #tpu.memory_space<semaphore_mem>>
      %dma_start3A = tpu.memref_slice %arg3[%mul3A_11] : memref<262144xf32, #tpu.memory_space<hbm>> -> memref<4096xf32, #tpu.memory_space<hbm>>
      %dma_start3A_309 = tpu.memref_slice %arg3[%mul3A_11] : memref<262144xf32, #tpu.memory_space<hbm>> -> memref<4096xf32, #tpu.memory_space<hbm>>
      tpu.enqueue_dma source(%dma_start3A_309 : memref<4096xf32, #tpu.memory_space<hbm>>) target(%arg7 : memref<4096xf32, #tpu.memory_space<vmem>>) target_semaphore(%run_scoped3A : memref<!tpu.dma_semaphore, #tpu.memory_space<semaphore_mem>>)
      %dma_wait3A = tpu.memref_slice %arg3[%mul3A_11] : memref<262144xf32, #tpu.memory_space<hbm>> -> memref<4096xf32, #tpu.memory_space<hbm>>
      %dma_wait3A_310 = tpu.memref_slice %arg3[%mul3A_11] : memref<262144xf32, #tpu.memory_space<hbm>> -> memref<4096xf32, #tpu.memory_space<hbm>>
      tpu.wait_dma2 semaphore(%run_scoped3A : memref<!tpu.dma_semaphore, #tpu.memory_space<semaphore_mem>>) src(%dma_wait3A_310 : memref<4096xf32, #tpu.memory_space<hbm>>) dst(%arg7 : memref<4096xf32, #tpu.memory_space<vmem>>)
      tpu.yield
    }) : () -> ()
    "tpu.region"() ({
      %run_scoped3A = tpu.sem_alloc : memref<!tpu.dma_semaphore, #tpu.memory_space<semaphore_mem>>
      %dma_start3A = tpu.memref_slice %arg4[%mul3A_11] : memref<262144xf32, #tpu.memory_space<hbm>> -> memref<4096xf32, #tpu.memory_space<hbm>>
      %dma_start3A_309 = tpu.memref_slice %arg4[%mul3A_11] : memref<262144xf32, #tpu.memory_space<hbm>> -> memref<4096xf32, #tpu.memory_space<hbm>>
      tpu.enqueue_dma source(%dma_start3A_309 : memref<4096xf32, #tpu.memory_space<hbm>>) target(%arg8 : memref<4096xf32, #tpu.memory_space<vmem>>) target_semaphore(%run_scoped3A : memref<!tpu.dma_semaphore, #tpu.memory_space<semaphore_mem>>)
      %dma_wait3A = tpu.memref_slice %arg4[%mul3A_11] : memref<262144xf32, #tpu.memory_space<hbm>> -> memref<4096xf32, #tpu.memory_space<hbm>>
      %dma_wait3A_310 = tpu.memref_slice %arg4[%mul3A_11] : memref<262144xf32, #tpu.memory_space<hbm>> -> memref<4096xf32, #tpu.memory_space<hbm>>
      tpu.wait_dma2 semaphore(%run_scoped3A : memref<!tpu.dma_semaphore, #tpu.memory_space<semaphore_mem>>) src(%dma_wait3A_310 : memref<4096xf32, #tpu.memory_space<hbm>>) dst(%arg8 : memref<4096xf32, #tpu.memory_space<vmem>>)
      tpu.yield
    }) : () -> ()
    %scan3A = arith.constant 0 : i32
    %scan3A_12 = arith.constant 0 : i32
    %scan3A_13 = arith.constant 256 : i32
    %scan3A_14 = arith.addi %scan3A_12, %scan3A_13 : i32
    %scan3A_15 = arith.constant 1 : i32
    scf.for %scan3A_309 = %scan3A_12 to %scan3A_14 step %scan3A_15  : i32 {
      %mul3A_310 = arith.constant 16 : i32
      %mul3A_311 = arith.muli %scan3A_309, %mul3A_310 : i32
      %get3A_312 = arith.index_cast %mul3A_311 : i32 to index
      %get3A_313 = tpu.vector_load %arg6[%get3A_312] {strides = array<i32>} : memref<4096xf32, #tpu.memory_space<vmem>>, vector<16xf32>,
      %mul3A_314 = arith.constant 8.000000e-01 : f32
      %mul3A_315 = vector.broadcast %mul3A_314 : f32 to vector<16xf32>
      %mul3A_316 = arith.mulf %mul3A_315, %get3A_313 : vector<16xf32>
      %get3A_317 = arith.index_cast %mul3A_311 : i32 to index
      %get3A_318 = tpu.vector_load %arg7[%get3A_317] {strides = array<i32>} : memref<4096xf32, #tpu.memory_space<vmem>>, vector<16xf32>,
      %mul3A_319 = arith.constant 1.200000e+00 : f32
      %mul3A_320 = vector.broadcast %mul3A_319 : f32 to vector<16xf32>
      %mul3A_321 = arith.mulf %mul3A_320, %get3A_318 : vector<16xf32>
      %add3A_322 = arith.addf %mul3A_316, %mul3A_321 : vector<16xf32>
      %get3A_323 = arith.index_cast %mul3A_311 : i32 to index
      %get3A_324 = tpu.vector_load %arg8[%get3A_323] {strides = array<i32>} : memref<4096xf32, #tpu.memory_space<vmem>>, vector<16xf32>,
      %add3A_325 = arith.addf %add3A_322, %get3A_324 : vector<16xf32>
      %add3A_326 = arith.constant 16 : i32
      %add3A_327 = arith.addi %add3A_326, %mul3A_311 : i32
      %swap3A_328 = arith.index_cast %add3A_327 : i32 to index
      %swap3A_329 = tpu.vector_load %arg9[%swap3A_328] {strides = array<i32>} : memref<4128xf32, #tpu.memory_space<vmem>>, vector<16xf32>,
      tpu.vector_store %arg9[%swap3A_328], %add3A_325 {strides = array<i32>} : memref<4128xf32, #tpu.memory_space<vmem>>, vector<16xf32>,
    }
    %scan3A_16 = arith.constant 256 : i32
    %get3A = arith.constant 16 : index
    %get3A_17 = tpu.vector_load %arg9[%get3A] {strides = array<i32>} : memref<4128xf32, #tpu.memory_space<vmem>>, vector<16xf32>,
    %slice3A = vector.extract_strided_slice %get3A_17 {offsets = [0], sizes = [1], strides = [1]} : vector<16xf32> to vector<1xf32>
    %squeeze3A = vector.extract %slice3A[0] : f32 from vector<1xf32>
    %broadcast_in_dim3A_18 = vector.broadcast %squeeze3A : f32 to vector<16xf32>
    %swap3A = arith.constant 0 : index
    %swap3A_19 = tpu.vector_load %arg9[%swap3A] {strides = array<i32>} : memref<4128xf32, #tpu.memory_space<vmem>>, vector<16xf32>,
    tpu.vector_store %arg9[%swap3A], %broadcast_in_dim3A_18 {strides = array<i32>} : memref<4128xf32, #tpu.memory_space<vmem>>, vector<16xf32>,
    %get3A_20 = arith.constant 4096 : index
    %get3A_21 = tpu.vector_load %arg9[%get3A_20] {strides = array<i32>} : memref<4128xf32, #tpu.memory_space<vmem>>, vector<16xf32>,
    %slice3A_22 = vector.extract_strided_slice %get3A_21 {offsets = [15], sizes = [1], strides = [1]} : vector<16xf32> to vector<1xf32>
    %squeeze3A_23 = vector.extract %slice3A_22[0] : f32 from vector<1xf32>
    %broadcast_in_dim3A_24 = vector.broadcast %squeeze3A_23 : f32 to vector<16xf32>
    %swap3A_25 = arith.constant 4112 : index
    %swap3A_26 = tpu.vector_load %arg9[%swap3A_25] {strides = array<i32>} : memref<4128xf32, #tpu.memory_space<vmem>>, vector<16xf32>,
    tpu.vector_store %arg9[%swap3A_25], %broadcast_in_dim3A_24 {strides = array<i32>} : memref<4128xf32, #tpu.memory_space<vmem>>, vector<16xf32>,
    %scan3A_27 = arith.constant 0 : i32
    %scan3A_28 = arith.constant 256 : i32
    %scan3A_29 = arith.addi %scan3A_27, %scan3A_28 : i32
    %scan3A_30 = arith.constant 1 : i32
    %scan3A_31:7 = scf.for %scan3A_309 = %scan3A_27 to %scan3A_29 step %scan3A_30 iter_args(%scan3A_310 = %broadcast_in_dim3A_1, %scan3A_311 = %broadcast_in_dim3A_1, %scan3A_312 = %broadcast_in_dim3A_1, %scan3A_313 = %broadcast_in_dim3A_1, %scan3A_314 = %broadcast_in_dim3A_1, %scan3A_315 = %broadcast_in_dim3A_3, %scan3A_316 = %broadcast_in_dim3A_5) -> (vector<16xf32>, vector<16xf32>, vector<16xf32>, vector<16xf32>, vector<16xf32>, vector<16xf32>, vector<16xf32>)  : i32 {
      %mul3A_317 = arith.constant 16 : i32
      %mul3A_318 = arith.muli %scan3A_309, %mul3A_317 : i32
      %add3A_319 = arith.constant 16 : i32
      %add3A_320 = arith.addi %add3A_319, %mul3A_318 : i32
      %sub3A_321 = arith.constant 2 : i32
      %sub3A_322 = arith.subi %add3A_320, %sub3A_321 : i32
      %get3A_323 = arith.index_cast %sub3A_322 : i32 to index
      %get3A_324 = tpu.vector_load %arg9[%get3A_323] {strides = array<i32>} : memref<4128xf32, #tpu.memory_space<vmem>>, vector<16xf32>,
      %add3A_325 = arith.constant 1 : i32
      %add3A_326 = arith.addi %sub3A_322, %add3A_325 : i32
      %get3A_327 = arith.index_cast %add3A_326 : i32 to index
      %get3A_328 = tpu.vector_load %arg9[%get3A_327] {strides = array<i32>} : memref<4128xf32, #tpu.memory_space<vmem>>, vector<16xf32>,
      %add3A_329 = arith.addf %get3A_324, %get3A_328 : vector<16xf32>
      %add3A_330 = arith.constant 2 : i32
      %add3A_331 = arith.addi %sub3A_322, %add3A_330 : i32
      %get3A_332 = arith.index_cast %add3A_331 : i32 to index
      %get3A_333 = tpu.vector_load %arg9[%get3A_332] {strides = array<i32>} : memref<4128xf32, #tpu.memory_space<vmem>>, vector<16xf32>,
      %add3A_334 = arith.addf %add3A_329, %get3A_333 : vector<16xf32>
      %add3A_335 = arith.constant 3 : i32
      %add3A_336 = arith.addi %sub3A_322, %add3A_335 : i32
      %get3A_337 = arith.index_cast %add3A_336 : i32 to index
      %get3A_338 = tpu.vector_load %arg9[%get3A_337] {strides = array<i32>} : memref<4128xf32, #tpu.memory_space<vmem>>, vector<16xf32>,
      %add3A_339 = arith.addf %add3A_334, %get3A_338 : vector<16xf32>
      %add3A_340 = arith.constant 4 : i32
      %add3A_341 = arith.addi %sub3A_322, %add3A_340 : i32
      %get3A_342 = arith.index_cast %add3A_341 : i32 to index
      %get3A_343 = tpu.vector_load %arg9[%get3A_342] {strides = array<i32>} : memref<4128xf32, #tpu.memory_space<vmem>>, vector<16xf32>,
      %add3A_344 = arith.addf %add3A_339, %get3A_343 : vector<16xf32>
      %div3A_345 = arith.constant 5.000000e+00 : f32
      %div3A_346 = vector.broadcast %div3A_345 : f32 to vector<16xf32>
      %div3A_347 = arith.divf %add3A_344, %div3A_346 : vector<16xf32>
      %mul3A_348 = arith.constant 16 : i32
      %mul3A_349 = arith.muli %scan3A_309, %mul3A_348 : i32
      %swap3A_350 = arith.index_cast %mul3A_349 : i32 to index
      %swap3A_351 = tpu.vector_load %arg10[%swap3A_350] {strides = array<i32>} : memref<4096xf32, #tpu.memory_space<vmem>>, vector<16xf32>,
      tpu.vector_store %arg10[%swap3A_350], %div3A_347 {strides = array<i32>} : memref<4096xf32, #tpu.memory_space<vmem>>, vector<16xf32>,
      %min3A = arith.minimumf %scan3A_315, %div3A_347 : vector<16xf32>
      %add3A_352 = arith.addf %scan3A_316, %div3A_347 : vector<16xf32>
      %max3A = arith.maximumf %scan3A_310, %div3A_347 : vector<16xf32>
      %min3A_353 = arith.minimumf %scan3A_310, %div3A_347 : vector<16xf32>
      %max3A_354 = arith.maximumf %scan3A_311, %min3A_353 : vector<16xf32>
      %min3A_355 = arith.minimumf %scan3A_311, %min3A_353 : vector<16xf32>
      %max3A_356 = arith.maximumf %scan3A_312, %min3A_355 : vector<16xf32>
      %min3A_357 = arith.minimumf %scan3A_312, %min3A_355 : vector<16xf32>
      %max3A_358 = arith.maximumf %scan3A_313, %min3A_357 : vector<16xf32>
      %min3A_359 = arith.minimumf %scan3A_313, %min3A_357 : vector<16xf32>
      %max3A_360 = arith.maximumf %scan3A_314, %min3A_359 : vector<16xf32>
      scf.yield %max3A, %max3A_354, %max3A_356, %max3A_358, %max3A_360, %min3A, %add3A_352 : vector<16xf32>, vector<16xf32>, vector<16xf32>, vector<16xf32>, vector<16xf32>, vector<16xf32>, vector<16xf32>
    }
    %scan3A_32 = arith.constant 256 : i32
    %reduce_min3A = arith.constant true
    %reduce_min3A_33 = vector.broadcast %reduce_min3A : i1 to vector<16xi1>
    %reduce_min3A_34 = tpu.scan <min>, %scan3A_31#5 masked %reduce_min3A_33 : vector<16xf32>, vector<16xi1> -> vector<16xf32>
    %reduce_min3A_35 = vector.extract %reduce_min3A_34[15] : f32 from vector<16xf32>
    %broadcast_in_dim3A_36 = vector.broadcast %reduce_min3A_35 : f32 to vector<16xf32>
    %reduce_sum3A = arith.constant true
    %reduce_sum3A_37 = vector.broadcast %reduce_sum3A : i1 to vector<16xi1>
    %reduce_sum3A_38 = tpu.scan <sum>, %scan3A_31#6 masked %reduce_sum3A_37 : vector<16xf32>, vector<16xi1> -> vector<16xf32>
    %reduce_sum3A_39 = vector.extract %reduce_sum3A_38[15] : f32 from vector<16xf32>
    %broadcast_in_dim3A_40 = vector.broadcast %reduce_sum3A_39 : f32 to vector<16xf32>
    %reduce_max3A = arith.constant true
    %reduce_max3A_41 = vector.broadcast %reduce_max3A : i1 to vector<16xi1>
    %reduce_max3A_42 = tpu.scan <max>, %scan3A_31#0 masked %reduce_max3A_41 : vector<16xf32>, vector<16xi1> -> vector<16xf32>
    %reduce_max3A_43 = vector.extract %reduce_max3A_42[15] : f32 from vector<16xf32>
    %broadcast_in_dim3A_44 = vector.broadcast %reduce_max3A_43 : f32 to vector<16xf32>
    %add3A_45 = arith.addf %broadcast_in_dim3A_5, %broadcast_in_dim3A_44 : vector<16xf32>
    %eq3A = arith.cmpf oeq, %scan3A_31#0, %broadcast_in_dim3A_44 : vector<16xf32>
    %all_reduce_ffs3A = tpu.all_reduce %eq3A {dim = 0 : i64, kind = #tpu.reduction_kind<find_first_set>} : vector<16xi1> -> vector<16xi32>
    %eq3A_46 = arith.cmpi eq, %iota3A, %all_reduce_ffs3A : vector<16xi32>
    %select_n3A = arith.select %eq3A_46, %scan3A_31#1, %scan3A_31#0 : vector<16xi1>, vector<16xf32>
    %select_n3A_47 = arith.select %eq3A_46, %scan3A_31#2, %scan3A_31#1 : vector<16xi1>, vector<16xf32>
    %select_n3A_48 = arith.select %eq3A_46, %scan3A_31#3, %scan3A_31#2 : vector<16xi1>, vector<16xf32>
    %select_n3A_49 = arith.select %eq3A_46, %scan3A_31#4, %scan3A_31#3 : vector<16xi1>, vector<16xf32>
    %select_n3A_50 = arith.select %eq3A_46, %broadcast_in_dim3A_1, %scan3A_31#4 : vector<16xi1>, vector<16xf32>
    %reduce_max3A_51 = arith.constant true
    %reduce_max3A_52 = vector.broadcast %reduce_max3A_51 : i1 to vector<16xi1>
    %reduce_max3A_53 = tpu.scan <max>, %select_n3A masked %reduce_max3A_52 : vector<16xf32>, vector<16xi1> -> vector<16xf32>
    %reduce_max3A_54 = vector.extract %reduce_max3A_53[15] : f32 from vector<16xf32>
    %broadcast_in_dim3A_55 = vector.broadcast %reduce_max3A_54 : f32 to vector<16xf32>
    %add3A_56 = arith.addf %add3A_45, %broadcast_in_dim3A_55 : vector<16xf32>
    %eq3A_57 = arith.cmpf oeq, %select_n3A, %broadcast_in_dim3A_55 : vector<16xf32>
    %all_reduce_ffs3A_58 = tpu.all_reduce %eq3A_57 {dim = 0 : i64, kind = #tpu.reduction_kind<find_first_set>} : vector<16xi1> -> vector<16xi32>
    %eq3A_59 = arith.cmpi eq, %iota3A, %all_reduce_ffs3A_58 : vector<16xi32>
    %select_n3A_60 = arith.select %eq3A_59, %select_n3A_47, %select_n3A : vector<16xi1>, vector<16xf32>
    %select_n3A_61 = arith.select %eq3A_59, %select_n3A_48, %select_n3A_47 : vector<16xi1>, vector<16xf32>
    %select_n3A_62 = arith.select %eq3A_59, %select_n3A_49, %select_n3A_48 : vector<16xi1>, vector<16xf32>
    %select_n3A_63 = arith.select %eq3A_59, %select_n3A_50, %select_n3A_49 : vector<16xi1>, vector<16xf32>
    %select_n3A_64 = arith.select %eq3A_59, %broadcast_in_dim3A_1, %select_n3A_50 : vector<16xi1>, vector<16xf32>
    %reduce_max3A_65 = arith.constant true
    %reduce_max3A_66 = vector.broadcast %reduce_max3A_65 : i1 to vector<16xi1>
    %reduce_max3A_67 = tpu.scan <max>, %select_n3A_60 masked %reduce_max3A_66 : vector<16xf32>, vector<16xi1> -> vector<16xf32>
    %reduce_max3A_68 = vector.extract %reduce_max3A_67[15] : f32 from vector<16xf32>
    %broadcast_in_dim3A_69 = vector.broadcast %reduce_max3A_68 : f32 to vector<16xf32>
    %add3A_70 = arith.addf %add3A_56, %broadcast_in_dim3A_69 : vector<16xf32>
    %eq3A_71 = arith.cmpf oeq, %select_n3A_60, %broadcast_in_dim3A_69 : vector<16xf32>
    %all_reduce_ffs3A_72 = tpu.all_reduce %eq3A_71 {dim = 0 : i64, kind = #tpu.reduction_kind<find_first_set>} : vector<16xi1> -> vector<16xi32>
    %eq3A_73 = arith.cmpi eq, %iota3A, %all_reduce_ffs3A_72 : vector<16xi32>
    %select_n3A_74 = arith.select %eq3A_73, %select_n3A_61, %select_n3A_60 : vector<16xi1>, vector<16xf32>
    %select_n3A_75 = arith.select %eq3A_73, %select_n3A_62, %select_n3A_61 : vector<16xi1>, vector<16xf32>
    %select_n3A_76 = arith.select %eq3A_73, %select_n3A_63, %select_n3A_62 : vector<16xi1>, vector<16xf32>
    %select_n3A_77 = arith.select %eq3A_73, %select_n3A_64, %select_n3A_63 : vector<16xi1>, vector<16xf32>
    %select_n3A_78 = arith.select %eq3A_73, %broadcast_in_dim3A_1, %select_n3A_64 : vector<16xi1>, vector<16xf32>
    %reduce_max3A_79 = arith.constant true
    %reduce_max3A_80 = vector.broadcast %reduce_max3A_79 : i1 to vector<16xi1>
    %reduce_max3A_81 = tpu.scan <max>, %select_n3A_74 masked %reduce_max3A_80 : vector<16xf32>, vector<16xi1> -> vector<16xf32>
    %reduce_max3A_82 = vector.extract %reduce_max3A_81[15] : f32 from vector<16xf32>
    %broadcast_in_dim3A_83 = vector.broadcast %reduce_max3A_82 : f32 to vector<16xf32>
    %add3A_84 = arith.addf %add3A_70, %broadcast_in_dim3A_83 : vector<16xf32>
    %eq3A_85 = arith.cmpf oeq, %select_n3A_74, %broadcast_in_dim3A_83 : vector<16xf32>
    %all_reduce_ffs3A_86 = tpu.all_reduce %eq3A_85 {dim = 0 : i64, kind = #tpu.reduction_kind<find_first_set>} : vector<16xi1> -> vector<16xi32>
    %eq3A_87 = arith.cmpi eq, %iota3A, %all_reduce_ffs3A_86 : vector<16xi32>
    %select_n3A_88 = arith.select %eq3A_87, %select_n3A_75, %select_n3A_74 : vector<16xi1>, vector<16xf32>
    %select_n3A_89 = arith.select %eq3A_87, %select_n3A_76, %select_n3A_75 : vector<16xi1>, vector<16xf32>
    %select_n3A_90 = arith.select %eq3A_87, %select_n3A_77, %select_n3A_76 : vector<16xi1>, vector<16xf32>
    %select_n3A_91 = arith.select %eq3A_87, %select_n3A_78, %select_n3A_77 : vector<16xi1>, vector<16xf32>
    %select_n3A_92 = arith.select %eq3A_87, %broadcast_in_dim3A_1, %select_n3A_78 : vector<16xi1>, vector<16xf32>
    %reduce_max3A_93 = arith.constant true
    %reduce_max3A_94 = vector.broadcast %reduce_max3A_93 : i1 to vector<16xi1>
    %reduce_max3A_95 = tpu.scan <max>, %select_n3A_88 masked %reduce_max3A_94 : vector<16xf32>, vector<16xi1> -> vector<16xf32>
    %reduce_max3A_96 = vector.extract %reduce_max3A_95[15] : f32 from vector<16xf32>
    %broadcast_in_dim3A_97 = vector.broadcast %reduce_max3A_96 : f32 to vector<16xf32>
    %add3A_98 = arith.addf %add3A_84, %broadcast_in_dim3A_97 : vector<16xf32>
    %eq3A_99 = arith.cmpf oeq, %select_n3A_88, %broadcast_in_dim3A_97 : vector<16xf32>
    %all_reduce_ffs3A_100 = tpu.all_reduce %eq3A_99 {dim = 0 : i64, kind = #tpu.reduction_kind<find_first_set>} : vector<16xi1> -> vector<16xi32>
    %eq3A_101 = arith.cmpi eq, %iota3A, %all_reduce_ffs3A_100 : vector<16xi32>
    %select_n3A_102 = arith.select %eq3A_101, %select_n3A_89, %select_n3A_88 : vector<16xi1>, vector<16xf32>
    %select_n3A_103 = arith.select %eq3A_101, %select_n3A_90, %select_n3A_89 : vector<16xi1>, vector<16xf32>
    %select_n3A_104 = arith.select %eq3A_101, %select_n3A_91, %select_n3A_90 : vector<16xi1>, vector<16xf32>
    %select_n3A_105 = arith.select %eq3A_101, %select_n3A_92, %select_n3A_91 : vector<16xi1>, vector<16xf32>
    %select_n3A_106 = arith.select %eq3A_101, %broadcast_in_dim3A_1, %select_n3A_92 : vector<16xi1>, vector<16xf32>
    %reduce_max3A_107 = arith.constant true
    %reduce_max3A_108 = vector.broadcast %reduce_max3A_107 : i1 to vector<16xi1>
    %reduce_max3A_109 = tpu.scan <max>, %scan3A_31#0 masked %reduce_max3A_108 : vector<16xf32>, vector<16xi1> -> vector<16xf32>
    %reduce_max3A_110 = vector.extract %reduce_max3A_109[15] : f32 from vector<16xf32>
    %broadcast_in_dim3A_111 = vector.broadcast %reduce_max3A_110 : f32 to vector<16xf32>
    %sub3A = arith.subf %broadcast_in_dim3A_111, %broadcast_in_dim3A_36 : vector<16xf32>
    %add3A_112 = arith.constant 9.99999993E-9 : f32
    %add3A_113 = vector.broadcast %add3A_112 : f32 to vector<16xf32>
    %add3A_114 = arith.addf %sub3A, %add3A_113 : vector<16xf32>
    %div3A = arith.constant 1.000000e+00 : f32
    %div3A_115 = vector.broadcast %div3A : f32 to vector<16xf32>
    %div3A_116 = arith.divf %div3A_115, %add3A_114 : vector<16xf32>
    %mul3A_117 = arith.constant 0.699999988 : f32
    %mul3A_118 = vector.broadcast %mul3A_117 : f32 to vector<16xf32>
    %mul3A_119 = arith.mulf %mul3A_118, %div3A_116 : vector<16xf32>
    %mul3A_120 = arith.constant 4.096000e+03 : f32
    %mul3A_121 = vector.broadcast %mul3A_120 : f32 to vector<16xf32>
    %mul3A_122 = arith.mulf %mul3A_121, %broadcast_in_dim3A_36 : vector<16xf32>
    %sub3A_123 = arith.subf %broadcast_in_dim3A_40, %mul3A_122 : vector<16xf32>
    %mul3A_124 = arith.mulf %mul3A_119, %sub3A_123 : vector<16xf32>
    %mul3A_125 = arith.constant 8.000000e-01 : f32
    %mul3A_126 = vector.broadcast %mul3A_125 : f32 to vector<16xf32>
    %mul3A_127 = arith.mulf %mul3A_126, %div3A_116 : vector<16xf32>
    %mul3A_128 = arith.constant 5.000000e+00 : f32
    %mul3A_129 = vector.broadcast %mul3A_128 : f32 to vector<16xf32>
    %mul3A_130 = arith.mulf %mul3A_129, %broadcast_in_dim3A_36 : vector<16xf32>
    %sub3A_131 = arith.subf %add3A_98, %mul3A_130 : vector<16xf32>
    %mul3A_132 = arith.mulf %mul3A_127, %sub3A_131 : vector<16xf32>
    %add3A_133 = arith.addf %mul3A_124, %mul3A_132 : vector<16xf32>
    %div3A_134 = arith.constant 4.096000e+03 : f32
    %div3A_135 = vector.broadcast %div3A_134 : f32 to vector<16xf32>
    %div3A_136 = arith.divf %add3A_133, %div3A_135 : vector<16xf32>
    %mul3A_137 = arith.constant 1.500000e+00 : f32
    %mul3A_138 = vector.broadcast %mul3A_137 : f32 to vector<16xf32>
    %mul3A_139 = arith.mulf %mul3A_138, %div3A_116 : vector<16xf32>
    %mul3A_140 = arith.mulf %mul3A_139, %div3A_136 : vector<16xf32>
    %mul3A_141 = arith.constant 0.699999988 : f32
    %mul3A_142 = vector.broadcast %mul3A_141 : f32 to vector<16xf32>
    %mul3A_143 = arith.mulf %mul3A_142, %div3A_116 : vector<16xf32>
    %mul3A_144 = arith.mulf %mul3A_143, %div3A_136 : vector<16xf32>
    %scan3A_145 = arith.constant 0 : i32
    %scan3A_146 = arith.constant 0 : i32
    %scan3A_147 = arith.constant 256 : i32
    %scan3A_148 = arith.addi %scan3A_146, %scan3A_147 : i32
    %scan3A_149 = arith.constant 1 : i32
    scf.for %scan3A_309 = %scan3A_146 to %scan3A_148 step %scan3A_149  : i32 {
      %mul3A_310 = arith.constant 16 : i32
      %mul3A_311 = arith.muli %scan3A_309, %mul3A_310 : i32
      %get3A_312 = arith.index_cast %mul3A_311 : i32 to index
      %get3A_313 = tpu.vector_load %arg10[%get3A_312] {strides = array<i32>} : memref<4096xf32, #tpu.memory_space<vmem>>, vector<16xf32>,
      %sub3A_314 = arith.subf %get3A_313, %broadcast_in_dim3A_36 : vector<16xf32>
      %ge3A = arith.cmpf oge, %get3A_313, %broadcast_in_dim3A_97 : vector<16xf32>
      %select_n3A_315 = arith.select %ge3A, %mul3A_140, %mul3A_144 : vector<16xi1>, vector<16xf32>
      %mul3A_316 = arith.mulf %sub3A_314, %select_n3A_315 : vector<16xf32>
      %mul3A_317 = arith.constant 16 : i32
      %mul3A_318 = arith.muli %scan3A_309, %mul3A_317 : i32
      %swap3A_319 = arith.index_cast %mul3A_318 : i32 to index
      %swap3A_320 = tpu.vector_load %arg11[%swap3A_319] {strides = array<i32>} : memref<4096xf32, #tpu.memory_space<vmem>>, vector<16xf32>,
      tpu.vector_store %arg11[%swap3A_319], %mul3A_316 {strides = array<i32>} : memref<4096xf32, #tpu.memory_space<vmem>>, vector<16xf32>,
    }
    %scan3A_150 = arith.constant 256 : i32
    "tpu.region"() ({
      %run_scoped3A = tpu.sem_alloc : memref<!tpu.dma_semaphore, #tpu.memory_space<semaphore_mem>>
      %dma_start3A = tpu.memref_slice %arg5[%mul3A_11] : memref<262144xf32, #tpu.memory_space<hbm>> -> memref<4096xf32, #tpu.memory_space<hbm>>
      %dma_start3A_309 = tpu.memref_slice %arg5[%mul3A_11] : memref<262144xf32, #tpu.memory_space<hbm>> -> memref<4096xf32, #tpu.memory_space<hbm>>
      tpu.enqueue_dma source(%arg11 : memref<4096xf32, #tpu.memory_space<vmem>>) target(%dma_start3A_309 : memref<4096xf32, #tpu.memory_space<hbm>>) target_semaphore(%run_scoped3A : memref<!tpu.dma_semaphore, #tpu.memory_space<semaphore_mem>>)
      %dma_wait3A = tpu.memref_slice %arg5[%mul3A_11] : memref<262144xf32, #tpu.memory_space<hbm>> -> memref<4096xf32, #tpu.memory_space<hbm>>
      %dma_wait3A_310 = tpu.memref_slice %arg5[%mul3A_11] : memref<262144xf32, #tpu.memory_space<hbm>> -> memref<4096xf32, #tpu.memory_space<hbm>>
      tpu.wait_dma2 semaphore(%run_scoped3A : memref<!tpu.dma_semaphore, #tpu.memory_space<semaphore_mem>>) src(%arg11 : memref<4096xf32, #tpu.memory_space<vmem>>) dst(%dma_wait3A_310 : memref<4096xf32, #tpu.memory_space<hbm>>)
      tpu.yield
    }) : () -> ()
    %mul3A_151 = arith.constant 2 : i32
    %mul3A_152 = arith.muli %add3A, %mul3A_151 : i32
    %add3A_153 = arith.constant 1 : i32
    %add3A_154 = arith.addi %mul3A_152, %add3A_153 : i32
    %mul3A_155 = arith.constant 4096 : i32
    %mul3A_156 = arith.muli %add3A_154, %mul3A_155 : i32
    "tpu.region"() ({
      %run_scoped3A = tpu.sem_alloc : memref<!tpu.dma_semaphore, #tpu.memory_space<semaphore_mem>>
      %dma_start3A = tpu.memref_slice %arg2[%mul3A_156] : memref<262144xf32, #tpu.memory_space<hbm>> -> memref<4096xf32, #tpu.memory_space<hbm>>
      %dma_start3A_309 = tpu.memref_slice %arg2[%mul3A_156] : memref<262144xf32, #tpu.memory_space<hbm>> -> memref<4096xf32, #tpu.memory_space<hbm>>
      tpu.enqueue_dma source(%dma_start3A_309 : memref<4096xf32, #tpu.memory_space<hbm>>) target(%arg6 : memref<4096xf32, #tpu.memory_space<vmem>>) target_semaphore(%run_scoped3A : memref<!tpu.dma_semaphore, #tpu.memory_space<semaphore_mem>>)
      %dma_wait3A = tpu.memref_slice %arg2[%mul3A_156] : memref<262144xf32, #tpu.memory_space<hbm>> -> memref<4096xf32, #tpu.memory_space<hbm>>
      %dma_wait3A_310 = tpu.memref_slice %arg2[%mul3A_156] : memref<262144xf32, #tpu.memory_space<hbm>> -> memref<4096xf32, #tpu.memory_space<hbm>>
      tpu.wait_dma2 semaphore(%run_scoped3A : memref<!tpu.dma_semaphore, #tpu.memory_space<semaphore_mem>>) src(%dma_wait3A_310 : memref<4096xf32, #tpu.memory_space<hbm>>) dst(%arg6 : memref<4096xf32, #tpu.memory_space<vmem>>)
      tpu.yield
    }) : () -> ()
    "tpu.region"() ({
      %run_scoped3A = tpu.sem_alloc : memref<!tpu.dma_semaphore, #tpu.memory_space<semaphore_mem>>
      %dma_start3A = tpu.memref_slice %arg3[%mul3A_156] : memref<262144xf32, #tpu.memory_space<hbm>> -> memref<4096xf32, #tpu.memory_space<hbm>>
      %dma_start3A_309 = tpu.memref_slice %arg3[%mul3A_156] : memref<262144xf32, #tpu.memory_space<hbm>> -> memref<4096xf32, #tpu.memory_space<hbm>>
      tpu.enqueue_dma source(%dma_start3A_309 : memref<4096xf32, #tpu.memory_space<hbm>>) target(%arg7 : memref<4096xf32, #tpu.memory_space<vmem>>) target_semaphore(%run_scoped3A : memref<!tpu.dma_semaphore, #tpu.memory_space<semaphore_mem>>)
      %dma_wait3A = tpu.memref_slice %arg3[%mul3A_156] : memref<262144xf32, #tpu.memory_space<hbm>> -> memref<4096xf32, #tpu.memory_space<hbm>>
      %dma_wait3A_310 = tpu.memref_slice %arg3[%mul3A_156] : memref<262144xf32, #tpu.memory_space<hbm>> -> memref<4096xf32, #tpu.memory_space<hbm>>
      tpu.wait_dma2 semaphore(%run_scoped3A : memref<!tpu.dma_semaphore, #tpu.memory_space<semaphore_mem>>) src(%dma_wait3A_310 : memref<4096xf32, #tpu.memory_space<hbm>>) dst(%arg7 : memref<4096xf32, #tpu.memory_space<vmem>>)
      tpu.yield
    }) : () -> ()
    "tpu.region"() ({
      %run_scoped3A = tpu.sem_alloc : memref<!tpu.dma_semaphore, #tpu.memory_space<semaphore_mem>>
      %dma_start3A = tpu.memref_slice %arg4[%mul3A_156] : memref<262144xf32, #tpu.memory_space<hbm>> -> memref<4096xf32, #tpu.memory_space<hbm>>
      %dma_start3A_309 = tpu.memref_slice %arg4[%mul3A_156] : memref<262144xf32, #tpu.memory_space<hbm>> -> memref<4096xf32, #tpu.memory_space<hbm>>
      tpu.enqueue_dma source(%dma_start3A_309 : memref<4096xf32, #tpu.memory_space<hbm>>) target(%arg8 : memref<4096xf32, #tpu.memory_space<vmem>>) target_semaphore(%run_scoped3A : memref<!tpu.dma_semaphore, #tpu.memory_space<semaphore_mem>>)
      %dma_wait3A = tpu.memref_slice %arg4[%mul3A_156] : memref<262144xf32, #tpu.memory_space<hbm>> -> memref<4096xf32, #tpu.memory_space<hbm>>
      %dma_wait3A_310 = tpu.memref_slice %arg4[%mul3A_156] : memref<262144xf32, #tpu.memory_space<hbm>> -> memref<4096xf32, #tpu.memory_space<hbm>>
      tpu.wait_dma2 semaphore(%run_scoped3A : memref<!tpu.dma_semaphore, #tpu.memory_space<semaphore_mem>>) src(%dma_wait3A_310 : memref<4096xf32, #tpu.memory_space<hbm>>) dst(%arg8 : memref<4096xf32, #tpu.memory_space<vmem>>)
      tpu.yield
    }) : () -> ()
    %scan3A_157 = arith.constant 0 : i32
    %scan3A_158 = arith.constant 0 : i32
    %scan3A_159 = arith.constant 256 : i32
    %scan3A_160 = arith.addi %scan3A_158, %scan3A_159 : i32
    %scan3A_161 = arith.constant 1 : i32
    scf.for %scan3A_309 = %scan3A_158 to %scan3A_160 step %scan3A_161  : i32 {
      %mul3A_310 = arith.constant 16 : i32
      %mul3A_311 = arith.muli %scan3A_309, %mul3A_310 : i32
      %get3A_312 = arith.index_cast %mul3A_311 : i32 to index
      %get3A_313 = tpu.vector_load %arg6[%get3A_312] {strides = array<i32>} : memref<4096xf32, #tpu.memory_space<vmem>>, vector<16xf32>,
      %mul3A_314 = arith.constant 8.000000e-01 : f32
      %mul3A_315 = vector.broadcast %mul3A_314 : f32 to vector<16xf32>
      %mul3A_316 = arith.mulf %mul3A_315, %get3A_313 : vector<16xf32>
      %get3A_317 = arith.index_cast %mul3A_311 : i32 to index
      %get3A_318 = tpu.vector_load %arg7[%get3A_317] {strides = array<i32>} : memref<4096xf32, #tpu.memory_space<vmem>>, vector<16xf32>,
      %mul3A_319 = arith.constant 1.200000e+00 : f32
      %mul3A_320 = vector.broadcast %mul3A_319 : f32 to vector<16xf32>
      %mul3A_321 = arith.mulf %mul3A_320, %get3A_318 : vector<16xf32>
      %add3A_322 = arith.addf %mul3A_316, %mul3A_321 : vector<16xf32>
      %get3A_323 = arith.index_cast %mul3A_311 : i32 to index
      %get3A_324 = tpu.vector_load %arg8[%get3A_323] {strides = array<i32>} : memref<4096xf32, #tpu.memory_space<vmem>>, vector<16xf32>,
      %add3A_325 = arith.addf %add3A_322, %get3A_324 : vector<16xf32>
      %add3A_326 = arith.constant 16 : i32
      %add3A_327 = arith.addi %add3A_326, %mul3A_311 : i32
      %swap3A_328 = arith.index_cast %add3A_327 : i32 to index
      %swap3A_329 = tpu.vector_load %arg9[%swap3A_328] {strides = array<i32>} : memref<4128xf32, #tpu.memory_space<vmem>>, vector<16xf32>,
      tpu.vector_store %arg9[%swap3A_328], %add3A_325 {strides = array<i32>} : memref<4128xf32, #tpu.memory_space<vmem>>, vector<16xf32>,
    }
    %scan3A_162 = arith.constant 256 : i32
    %get3A_163 = arith.constant 16 : index
    %get3A_164 = tpu.vector_load %arg9[%get3A_163] {strides = array<i32>} : memref<4128xf32, #tpu.memory_space<vmem>>, vector<16xf32>,
    %slice3A_165 = vector.extract_strided_slice %get3A_164 {offsets = [0], sizes = [1], strides = [1]} : vector<16xf32> to vector<1xf32>
    %squeeze3A_166 = vector.extract %slice3A_165[0] : f32 from vector<1xf32>
    %broadcast_in_dim3A_167 = vector.broadcast %squeeze3A_166 : f32 to vector<16xf32>
    %swap3A_168 = arith.constant 0 : index
    %swap3A_169 = tpu.vector_load %arg9[%swap3A_168] {strides = array<i32>} : memref<4128xf32, #tpu.memory_space<vmem>>, vector<16xf32>,
    tpu.vector_store %arg9[%swap3A_168], %broadcast_in_dim3A_167 {strides = array<i32>} : memref<4128xf32, #tpu.memory_space<vmem>>, vector<16xf32>,
    %get3A_170 = arith.constant 4096 : index
    %get3A_171 = tpu.vector_load %arg9[%get3A_170] {strides = array<i32>} : memref<4128xf32, #tpu.memory_space<vmem>>, vector<16xf32>,
    %slice3A_172 = vector.extract_strided_slice %get3A_171 {offsets = [15], sizes = [1], strides = [1]} : vector<16xf32> to vector<1xf32>
    %squeeze3A_173 = vector.extract %slice3A_172[0] : f32 from vector<1xf32>
    %broadcast_in_dim3A_174 = vector.broadcast %squeeze3A_173 : f32 to vector<16xf32>
    %swap3A_175 = arith.constant 4112 : index
    %swap3A_176 = tpu.vector_load %arg9[%swap3A_175] {strides = array<i32>} : memref<4128xf32, #tpu.memory_space<vmem>>, vector<16xf32>,
    tpu.vector_store %arg9[%swap3A_175], %broadcast_in_dim3A_174 {strides = array<i32>} : memref<4128xf32, #tpu.memory_space<vmem>>, vector<16xf32>,
    %scan3A_177 = arith.constant 0 : i32
    %scan3A_178 = arith.constant 256 : i32
    %scan3A_179 = arith.addi %scan3A_177, %scan3A_178 : i32
    %scan3A_180 = arith.constant 1 : i32
    %scan3A_181:7 = scf.for %scan3A_309 = %scan3A_177 to %scan3A_179 step %scan3A_180 iter_args(%scan3A_310 = %broadcast_in_dim3A_1, %scan3A_311 = %broadcast_in_dim3A_1, %scan3A_312 = %broadcast_in_dim3A_1, %scan3A_313 = %broadcast_in_dim3A_1, %scan3A_314 = %broadcast_in_dim3A_1, %scan3A_315 = %broadcast_in_dim3A_3, %scan3A_316 = %broadcast_in_dim3A_5) -> (vector<16xf32>, vector<16xf32>, vector<16xf32>, vector<16xf32>, vector<16xf32>, vector<16xf32>, vector<16xf32>)  : i32 {
      %mul3A_317 = arith.constant 16 : i32
      %mul3A_318 = arith.muli %scan3A_309, %mul3A_317 : i32
      %add3A_319 = arith.constant 16 : i32
      %add3A_320 = arith.addi %add3A_319, %mul3A_318 : i32
      %sub3A_321 = arith.constant 2 : i32
      %sub3A_322 = arith.subi %add3A_320, %sub3A_321 : i32
      %get3A_323 = arith.index_cast %sub3A_322 : i32 to index
      %get3A_324 = tpu.vector_load %arg9[%get3A_323] {strides = array<i32>} : memref<4128xf32, #tpu.memory_space<vmem>>, vector<16xf32>,
      %add3A_325 = arith.constant 1 : i32
      %add3A_326 = arith.addi %sub3A_322, %add3A_325 : i32
      %get3A_327 = arith.index_cast %add3A_326 : i32 to index
      %get3A_328 = tpu.vector_load %arg9[%get3A_327] {strides = array<i32>} : memref<4128xf32, #tpu.memory_space<vmem>>, vector<16xf32>,
      %add3A_329 = arith.addf %get3A_324, %get3A_328 : vector<16xf32>
      %add3A_330 = arith.constant 2 : i32
      %add3A_331 = arith.addi %sub3A_322, %add3A_330 : i32
      %get3A_332 = arith.index_cast %add3A_331 : i32 to index
      %get3A_333 = tpu.vector_load %arg9[%get3A_332] {strides = array<i32>} : memref<4128xf32, #tpu.memory_space<vmem>>, vector<16xf32>,
      %add3A_334 = arith.addf %add3A_329, %get3A_333 : vector<16xf32>
      %add3A_335 = arith.constant 3 : i32
      %add3A_336 = arith.addi %sub3A_322, %add3A_335 : i32
      %get3A_337 = arith.index_cast %add3A_336 : i32 to index
      %get3A_338 = tpu.vector_load %arg9[%get3A_337] {strides = array<i32>} : memref<4128xf32, #tpu.memory_space<vmem>>, vector<16xf32>,
      %add3A_339 = arith.addf %add3A_334, %get3A_338 : vector<16xf32>
      %add3A_340 = arith.constant 4 : i32
      %add3A_341 = arith.addi %sub3A_322, %add3A_340 : i32
      %get3A_342 = arith.index_cast %add3A_341 : i32 to index
      %get3A_343 = tpu.vector_load %arg9[%get3A_342] {strides = array<i32>} : memref<4128xf32, #tpu.memory_space<vmem>>, vector<16xf32>,
      %add3A_344 = arith.addf %add3A_339, %get3A_343 : vector<16xf32>
      %div3A_345 = arith.constant 5.000000e+00 : f32
      %div3A_346 = vector.broadcast %div3A_345 : f32 to vector<16xf32>
      %div3A_347 = arith.divf %add3A_344, %div3A_346 : vector<16xf32>
      %mul3A_348 = arith.constant 16 : i32
      %mul3A_349 = arith.muli %scan3A_309, %mul3A_348 : i32
      %swap3A_350 = arith.index_cast %mul3A_349 : i32 to index
      %swap3A_351 = tpu.vector_load %arg10[%swap3A_350] {strides = array<i32>} : memref<4096xf32, #tpu.memory_space<vmem>>, vector<16xf32>,
      tpu.vector_store %arg10[%swap3A_350], %div3A_347 {strides = array<i32>} : memref<4096xf32, #tpu.memory_space<vmem>>, vector<16xf32>,
      %min3A = arith.minimumf %scan3A_315, %div3A_347 : vector<16xf32>
      %add3A_352 = arith.addf %scan3A_316, %div3A_347 : vector<16xf32>
      %max3A = arith.maximumf %scan3A_310, %div3A_347 : vector<16xf32>
      %min3A_353 = arith.minimumf %scan3A_310, %div3A_347 : vector<16xf32>
      %max3A_354 = arith.maximumf %scan3A_311, %min3A_353 : vector<16xf32>
      %min3A_355 = arith.minimumf %scan3A_311, %min3A_353 : vector<16xf32>
      %max3A_356 = arith.maximumf %scan3A_312, %min3A_355 : vector<16xf32>
      %min3A_357 = arith.minimumf %scan3A_312, %min3A_355 : vector<16xf32>
      %max3A_358 = arith.maximumf %scan3A_313, %min3A_357 : vector<16xf32>
      %min3A_359 = arith.minimumf %scan3A_313, %min3A_357 : vector<16xf32>
      %max3A_360 = arith.maximumf %scan3A_314, %min3A_359 : vector<16xf32>
      scf.yield %max3A, %max3A_354, %max3A_356, %max3A_358, %max3A_360, %min3A, %add3A_352 : vector<16xf32>, vector<16xf32>, vector<16xf32>, vector<16xf32>, vector<16xf32>, vector<16xf32>, vector<16xf32>
    }
    %scan3A_182 = arith.constant 256 : i32
    %reduce_min3A_183 = arith.constant true
    %reduce_min3A_184 = vector.broadcast %reduce_min3A_183 : i1 to vector<16xi1>
    %reduce_min3A_185 = tpu.scan <min>, %scan3A_181#5 masked %reduce_min3A_184 : vector<16xf32>, vector<16xi1> -> vector<16xf32>
    %reduce_min3A_186 = vector.extract %reduce_min3A_185[15] : f32 from vector<16xf32>
    %broadcast_in_dim3A_187 = vector.broadcast %reduce_min3A_186 : f32 to vector<16xf32>
    %reduce_sum3A_188 = arith.constant true
    %reduce_sum3A_189 = vector.broadcast %reduce_sum3A_188 : i1 to vector<16xi1>
    %reduce_sum3A_190 = tpu.scan <sum>, %scan3A_181#6 masked %reduce_sum3A_189 : vector<16xf32>, vector<16xi1> -> vector<16xf32>
    %reduce_sum3A_191 = vector.extract %reduce_sum3A_190[15] : f32 from vector<16xf32>
    %broadcast_in_dim3A_192 = vector.broadcast %reduce_sum3A_191 : f32 to vector<16xf32>
    %reduce_max3A_193 = arith.constant true
    %reduce_max3A_194 = vector.broadcast %reduce_max3A_193 : i1 to vector<16xi1>
    %reduce_max3A_195 = tpu.scan <max>, %scan3A_181#0 masked %reduce_max3A_194 : vector<16xf32>, vector<16xi1> -> vector<16xf32>
    %reduce_max3A_196 = vector.extract %reduce_max3A_195[15] : f32 from vector<16xf32>
    %broadcast_in_dim3A_197 = vector.broadcast %reduce_max3A_196 : f32 to vector<16xf32>
    %add3A_198 = arith.addf %broadcast_in_dim3A_5, %broadcast_in_dim3A_197 : vector<16xf32>
    %eq3A_199 = arith.cmpf oeq, %scan3A_181#0, %broadcast_in_dim3A_197 : vector<16xf32>
    %all_reduce_ffs3A_200 = tpu.all_reduce %eq3A_199 {dim = 0 : i64, kind = #tpu.reduction_kind<find_first_set>} : vector<16xi1> -> vector<16xi32>
    %eq3A_201 = arith.cmpi eq, %iota3A, %all_reduce_ffs3A_200 : vector<16xi32>
    %select_n3A_202 = arith.select %eq3A_201, %scan3A_181#1, %scan3A_181#0 : vector<16xi1>, vector<16xf32>
    %select_n3A_203 = arith.select %eq3A_201, %scan3A_181#2, %scan3A_181#1 : vector<16xi1>, vector<16xf32>
    %select_n3A_204 = arith.select %eq3A_201, %scan3A_181#3, %scan3A_181#2 : vector<16xi1>, vector<16xf32>
    %select_n3A_205 = arith.select %eq3A_201, %scan3A_181#4, %scan3A_181#3 : vector<16xi1>, vector<16xf32>
    %select_n3A_206 = arith.select %eq3A_201, %broadcast_in_dim3A_1, %scan3A_181#4 : vector<16xi1>, vector<16xf32>
    %reduce_max3A_207 = arith.constant true
    %reduce_max3A_208 = vector.broadcast %reduce_max3A_207 : i1 to vector<16xi1>
    %reduce_max3A_209 = tpu.scan <max>, %select_n3A_202 masked %reduce_max3A_208 : vector<16xf32>, vector<16xi1> -> vector<16xf32>
    %reduce_max3A_210 = vector.extract %reduce_max3A_209[15] : f32 from vector<16xf32>
    %broadcast_in_dim3A_211 = vector.broadcast %reduce_max3A_210 : f32 to vector<16xf32>
    %add3A_212 = arith.addf %add3A_198, %broadcast_in_dim3A_211 : vector<16xf32>
    %eq3A_213 = arith.cmpf oeq, %select_n3A_202, %broadcast_in_dim3A_211 : vector<16xf32>
    %all_reduce_ffs3A_214 = tpu.all_reduce %eq3A_213 {dim = 0 : i64, kind = #tpu.reduction_kind<find_first_set>} : vector<16xi1> -> vector<16xi32>
    %eq3A_215 = arith.cmpi eq, %iota3A, %all_reduce_ffs3A_214 : vector<16xi32>
    %select_n3A_216 = arith.select %eq3A_215, %select_n3A_203, %select_n3A_202 : vector<16xi1>, vector<16xf32>
    %select_n3A_217 = arith.select %eq3A_215, %select_n3A_204, %select_n3A_203 : vector<16xi1>, vector<16xf32>
    %select_n3A_218 = arith.select %eq3A_215, %select_n3A_205, %select_n3A_204 : vector<16xi1>, vector<16xf32>
    %select_n3A_219 = arith.select %eq3A_215, %select_n3A_206, %select_n3A_205 : vector<16xi1>, vector<16xf32>
    %select_n3A_220 = arith.select %eq3A_215, %broadcast_in_dim3A_1, %select_n3A_206 : vector<16xi1>, vector<16xf32>
    %reduce_max3A_221 = arith.constant true
    %reduce_max3A_222 = vector.broadcast %reduce_max3A_221 : i1 to vector<16xi1>
    %reduce_max3A_223 = tpu.scan <max>, %select_n3A_216 masked %reduce_max3A_222 : vector<16xf32>, vector<16xi1> -> vector<16xf32>
    %reduce_max3A_224 = vector.extract %reduce_max3A_223[15] : f32 from vector<16xf32>
    %broadcast_in_dim3A_225 = vector.broadcast %reduce_max3A_224 : f32 to vector<16xf32>
    %add3A_226 = arith.addf %add3A_212, %broadcast_in_dim3A_225 : vector<16xf32>
    %eq3A_227 = arith.cmpf oeq, %select_n3A_216, %broadcast_in_dim3A_225 : vector<16xf32>
    %all_reduce_ffs3A_228 = tpu.all_reduce %eq3A_227 {dim = 0 : i64, kind = #tpu.reduction_kind<find_first_set>} : vector<16xi1> -> vector<16xi32>
    %eq3A_229 = arith.cmpi eq, %iota3A, %all_reduce_ffs3A_228 : vector<16xi32>
    %select_n3A_230 = arith.select %eq3A_229, %select_n3A_217, %select_n3A_216 : vector<16xi1>, vector<16xf32>
    %select_n3A_231 = arith.select %eq3A_229, %select_n3A_218, %select_n3A_217 : vector<16xi1>, vector<16xf32>
    %select_n3A_232 = arith.select %eq3A_229, %select_n3A_219, %select_n3A_218 : vector<16xi1>, vector<16xf32>
    %select_n3A_233 = arith.select %eq3A_229, %select_n3A_220, %select_n3A_219 : vector<16xi1>, vector<16xf32>
    %select_n3A_234 = arith.select %eq3A_229, %broadcast_in_dim3A_1, %select_n3A_220 : vector<16xi1>, vector<16xf32>
    %reduce_max3A_235 = arith.constant true
    %reduce_max3A_236 = vector.broadcast %reduce_max3A_235 : i1 to vector<16xi1>
    %reduce_max3A_237 = tpu.scan <max>, %select_n3A_230 masked %reduce_max3A_236 : vector<16xf32>, vector<16xi1> -> vector<16xf32>
    %reduce_max3A_238 = vector.extract %reduce_max3A_237[15] : f32 from vector<16xf32>
    %broadcast_in_dim3A_239 = vector.broadcast %reduce_max3A_238 : f32 to vector<16xf32>
    %add3A_240 = arith.addf %add3A_226, %broadcast_in_dim3A_239 : vector<16xf32>
    %eq3A_241 = arith.cmpf oeq, %select_n3A_230, %broadcast_in_dim3A_239 : vector<16xf32>
    %all_reduce_ffs3A_242 = tpu.all_reduce %eq3A_241 {dim = 0 : i64, kind = #tpu.reduction_kind<find_first_set>} : vector<16xi1> -> vector<16xi32>
    %eq3A_243 = arith.cmpi eq, %iota3A, %all_reduce_ffs3A_242 : vector<16xi32>
    %select_n3A_244 = arith.select %eq3A_243, %select_n3A_231, %select_n3A_230 : vector<16xi1>, vector<16xf32>
    %select_n3A_245 = arith.select %eq3A_243, %select_n3A_232, %select_n3A_231 : vector<16xi1>, vector<16xf32>
    %select_n3A_246 = arith.select %eq3A_243, %select_n3A_233, %select_n3A_232 : vector<16xi1>, vector<16xf32>
    %select_n3A_247 = arith.select %eq3A_243, %select_n3A_234, %select_n3A_233 : vector<16xi1>, vector<16xf32>
    %select_n3A_248 = arith.select %eq3A_243, %broadcast_in_dim3A_1, %select_n3A_234 : vector<16xi1>, vector<16xf32>
    %reduce_max3A_249 = arith.constant true
    %reduce_max3A_250 = vector.broadcast %reduce_max3A_249 : i1 to vector<16xi1>
    %reduce_max3A_251 = tpu.scan <max>, %select_n3A_244 masked %reduce_max3A_250 : vector<16xf32>, vector<16xi1> -> vector<16xf32>
    %reduce_max3A_252 = vector.extract %reduce_max3A_251[15] : f32 from vector<16xf32>
    %broadcast_in_dim3A_253 = vector.broadcast %reduce_max3A_252 : f32 to vector<16xf32>
    %add3A_254 = arith.addf %add3A_240, %broadcast_in_dim3A_253 : vector<16xf32>
    %eq3A_255 = arith.cmpf oeq, %select_n3A_244, %broadcast_in_dim3A_253 : vector<16xf32>
    %all_reduce_ffs3A_256 = tpu.all_reduce %eq3A_255 {dim = 0 : i64, kind = #tpu.reduction_kind<find_first_set>} : vector<16xi1> -> vector<16xi32>
    %eq3A_257 = arith.cmpi eq, %iota3A, %all_reduce_ffs3A_256 : vector<16xi32>
    %select_n3A_258 = arith.select %eq3A_257, %select_n3A_245, %select_n3A_244 : vector<16xi1>, vector<16xf32>
    %select_n3A_259 = arith.select %eq3A_257, %select_n3A_246, %select_n3A_245 : vector<16xi1>, vector<16xf32>
    %select_n3A_260 = arith.select %eq3A_257, %select_n3A_247, %select_n3A_246 : vector<16xi1>, vector<16xf32>
    %select_n3A_261 = arith.select %eq3A_257, %select_n3A_248, %select_n3A_247 : vector<16xi1>, vector<16xf32>
    %select_n3A_262 = arith.select %eq3A_257, %broadcast_in_dim3A_1, %select_n3A_248 : vector<16xi1>, vector<16xf32>
    %reduce_max3A_263 = arith.constant true
    %reduce_max3A_264 = vector.broadcast %reduce_max3A_263 : i1 to vector<16xi1>
    %reduce_max3A_265 = tpu.scan <max>, %scan3A_181#0 masked %reduce_max3A_264 : vector<16xf32>, vector<16xi1> -> vector<16xf32>
    %reduce_max3A_266 = vector.extract %reduce_max3A_265[15] : f32 from vector<16xf32>
    %broadcast_in_dim3A_267 = vector.broadcast %reduce_max3A_266 : f32 to vector<16xf32>
    %sub3A_268 = arith.subf %broadcast_in_dim3A_267, %broadcast_in_dim3A_187 : vector<16xf32>
    %add3A_269 = arith.constant 9.99999993E-9 : f32
    %add3A_270 = vector.broadcast %add3A_269 : f32 to vector<16xf32>
    %add3A_271 = arith.addf %sub3A_268, %add3A_270 : vector<16xf32>
    %div3A_272 = arith.constant 1.000000e+00 : f32
    %div3A_273 = vector.broadcast %div3A_272 : f32 to vector<16xf32>
    %div3A_274 = arith.divf %div3A_273, %add3A_271 : vector<16xf32>
    %mul3A_275 = arith.constant 0.699999988 : f32
    %mul3A_276 = vector.broadcast %mul3A_275 : f32 to vector<16xf32>
    %mul3A_277 = arith.mulf %mul3A_276, %div3A_274 : vector<16xf32>
    %mul3A_278 = arith.constant 4.096000e+03 : f32
    %mul3A_279 = vector.broadcast %mul3A_278 : f32 to vector<16xf32>
    %mul3A_280 = arith.mulf %mul3A_279, %broadcast_in_dim3A_187 : vector<16xf32>
    %sub3A_281 = arith.subf %broadcast_in_dim3A_192, %mul3A_280 : vector<16xf32>
    %mul3A_282 = arith.mulf %mul3A_277, %sub3A_281 : vector<16xf32>
    %mul3A_283 = arith.constant 8.000000e-01 : f32
    %mul3A_284 = vector.broadcast %mul3A_283 : f32 to vector<16xf32>
    %mul3A_285 = arith.mulf %mul3A_284, %div3A_274 : vector<16xf32>
    %mul3A_286 = arith.constant 5.000000e+00 : f32
    %mul3A_287 = vector.broadcast %mul3A_286 : f32 to vector<16xf32>
    %mul3A_288 = arith.mulf %mul3A_287, %broadcast_in_dim3A_187 : vector<16xf32>
    %sub3A_289 = arith.subf %add3A_254, %mul3A_288 : vector<16xf32>
    %mul3A_290 = arith.mulf %mul3A_285, %sub3A_289 : vector<16xf32>
    %add3A_291 = arith.addf %mul3A_282, %mul3A_290 : vector<16xf32>
    %div3A_292 = arith.constant 4.096000e+03 : f32
    %div3A_293 = vector.broadcast %div3A_292 : f32 to vector<16xf32>
    %div3A_294 = arith.divf %add3A_291, %div3A_293 : vector<16xf32>
    %mul3A_295 = arith.constant 1.500000e+00 : f32
    %mul3A_296 = vector.broadcast %mul3A_295 : f32 to vector<16xf32>
    %mul3A_297 = arith.mulf %mul3A_296, %div3A_274 : vector<16xf32>
    %mul3A_298 = arith.mulf %mul3A_297, %div3A_294 : vector<16xf32>
    %mul3A_299 = arith.constant 0.699999988 : f32
    %mul3A_300 = vector.broadcast %mul3A_299 : f32 to vector<16xf32>
    %mul3A_301 = arith.mulf %mul3A_300, %div3A_274 : vector<16xf32>
    %mul3A_302 = arith.mulf %mul3A_301, %div3A_294 : vector<16xf32>
    %scan3A_303 = arith.constant 0 : i32
    %scan3A_304 = arith.constant 0 : i32
    %scan3A_305 = arith.constant 256 : i32
    %scan3A_306 = arith.addi %scan3A_304, %scan3A_305 : i32
    %scan3A_307 = arith.constant 1 : i32
    scf.for %scan3A_309 = %scan3A_304 to %scan3A_306 step %scan3A_307  : i32 {
      %mul3A_310 = arith.constant 16 : i32
      %mul3A_311 = arith.muli %scan3A_309, %mul3A_310 : i32
      %get3A_312 = arith.index_cast %mul3A_311 : i32 to index
      %get3A_313 = tpu.vector_load %arg10[%get3A_312] {strides = array<i32>} : memref<4096xf32, #tpu.memory_space<vmem>>, vector<16xf32>,
      %sub3A_314 = arith.subf %get3A_313, %broadcast_in_dim3A_187 : vector<16xf32>
      %ge3A = arith.cmpf oge, %get3A_313, %broadcast_in_dim3A_253 : vector<16xf32>
      %select_n3A_315 = arith.select %ge3A, %mul3A_298, %mul3A_302 : vector<16xi1>, vector<16xf32>
      %mul3A_316 = arith.mulf %sub3A_314, %select_n3A_315 : vector<16xf32>
      %mul3A_317 = arith.constant 16 : i32
      %mul3A_318 = arith.muli %scan3A_309, %mul3A_317 : i32
      %swap3A_319 = arith.index_cast %mul3A_318 : i32 to index
      %swap3A_320 = tpu.vector_load %arg11[%swap3A_319] {strides = array<i32>} : memref<4096xf32, #tpu.memory_space<vmem>>, vector<16xf32>,
      tpu.vector_store %arg11[%swap3A_319], %mul3A_316 {strides = array<i32>} : memref<4096xf32, #tpu.memory_space<vmem>>, vector<16xf32>,
    }
    %scan3A_308 = arith.constant 256 : i32
    "tpu.region"() ({
      %run_scoped3A = tpu.sem_alloc : memref<!tpu.dma_semaphore, #tpu.memory_space<semaphore_mem>>
      %dma_start3A = tpu.memref_slice %arg5[%mul3A_156] : memref<262144xf32, #tpu.memory_space<hbm>> -> memref<4096xf32, #tpu.memory_space<hbm>>
      %dma_start3A_309 = tpu.memref_slice %arg5[%mul3A_156] : memref<262144xf32, #tpu.memory_space<hbm>> -> memref<4096xf32, #tpu.memory_space<hbm>>
      tpu.enqueue_dma source(%arg11 : memref<4096xf32, #tpu.memory_space<vmem>>) target(%dma_start3A_309 : memref<4096xf32, #tpu.memory_space<hbm>>) target_semaphore(%run_scoped3A : memref<!tpu.dma_semaphore, #tpu.memory_space<semaphore_mem>>)
      %dma_wait3A = tpu.memref_slice %arg5[%mul3A_156] : memref<262144xf32, #tpu.memory_space<hbm>> -> memref<4096xf32, #tpu.memory_space<hbm>>
      %dma_wait3A_310 = tpu.memref_slice %arg5[%mul3A_156] : memref<262144xf32, #tpu.memory_space<hbm>> -> memref<4096xf32, #tpu.memory_space<hbm>>
      tpu.wait_dma2 semaphore(%run_scoped3A : memref<!tpu.dma_semaphore, #tpu.memory_space<semaphore_mem>>) src(%arg11 : memref<4096xf32, #tpu.memory_space<vmem>>) dst(%dma_wait3A_310 : memref<4096xf32, #tpu.memory_space<hbm>>)
      tpu.yield
    }) : () -> ()
    return
  }
}

</mosaic_0001>

<sc_bundles>
// kernel: _bridge.3.cloned.1.call-start
scs
__scs_entry_jumppad:
0x0: {  	(pc) =	sbr.rel $0x88, $3  }
0x1: {  	(tag) =	ssettag $0x0;
	lr =	simm.s32 $0x1  }
0x2: {  	[smem:$0x3F9E] =	sst lr;
	_ =	strace $0xD0000000  }
0x3: {  	_ = 	snop  }
0x4: {  	_ = 	snop  }
0x5: {  	_ = 	snop  }
0x6: {  	_ = 	snop  }
0x7: {  	_ = 	snop  }
__scs_overlays_trampoline_lowered:
0x8: {  	[smem:$0x3FAD] =	sst s0  }
0x9: {  	[smem:$0x3FAE] =	sst s1  }
0xa: {  	[smem:$0x3FAF] =	sst s2  }
0xb: {  	[smem:$0x3FB0] =	sst s3  }
0xc: {  	[smem:$0x3FB1] =	sst s4  }
0xd: {  	[smem:$0x3FB2] =	sst s5  }
0xe: {  	[smem:$0x3FB3] =	sst s6  }
0xf: {  	[smem:$0x3FB4] =	sst s7  }
0x10: {  	[smem:$0x3FB5] =	sst s8  }
0x11: {  	[smem:$0x3FB6] =	sst s9;
	s0 =	simm.s32 @!p0 $0x0  }
0x12: {  	s1 =	sld [smem:$0x3F9C];
	s0 =	simm.s32 @p0 $0x1  }
0x13: {  	[smem:$0x3FB7] =	sst s0;
	s0 =	simm.s32 @!p1 $0x0  }
0x14: {  	s2 =	sld [smem:$0x3F9B];
	s0 =	simm.s32 @p1 $0x1  }
0x15: {  	[smem:$0x3FB8] =	sst s0;
	s0 =	simm.s32 @!p2 $0x0  }
0x16: {  	s3 =	sld [smem:$0x3FDB];
	s0 =	simm.s32 @p2 $0x1  }
0x17: {  	s4 =	simm.s32 $0x1BF5;
	[smem:$0x3FBA] =	sst s0  }
0x18: {  	s0 =	sld [smem:$0x3F9D];
	_ =	swait.ge [sflag:s4], $0x0  }
0x19: {  	s7 =	sld [smem:$0x3F9E]  }
0x1a: {  	s8 =	sadd.s32 $0xFFFFE003, lr  }
0x1b: {  	s9 =	sadd.s32 $0xFFFFFEF7, lr;
	s5 =	simm.s32 $0xFFFFFFFF;
	p2 =	slt.u32 s8, $0xFFFFF086  }
0x1c: {  	p1 =	slt.u32 s9, $0xF7A;
	s5 =	simm.s32 @!p2 $0x0  }
0x1d: {  	s5 =	simm.s32 @p1 $0x1;
	p0 =	seq.s32 s7, s2  }
0x1e: {  	s7 =	smul.u32 @!p0 $0xF7A, s2;
	p2 =	seq.s32 @!p0 s5, $0x0  }
0x1f: {  	s9 =	smul.u32 $0xF7A, s1;
	s8 =	simm.s32 @!p0 $0x1BF5;
	p2 =	por !p2, p0  }
0x20: {  	[sflag:s8] =	ssyncset.s32 @!p0 $0xFFFFF086;
	s6 =	sadd.s32 @!p0 s3, s7;
	s7 =	simm.s32 @!p0 $0x108  }
0x21: {  	s3 =	sadd.s32 s3, s9;
	s6 =	sadd.s32 @!p0 $0x88, s6;
	s7 =	simm.s32 @p2 $0x1082  }
0x22: {  	[simem:s7], [sflag:s8] =	dma.local @!p0 [hbm:s6], $0xF7A  }
0x23: {  	s9 =	sor.u32 $0xD0000000, s2;
	s6 =	simm.s32 $0x108;
	_ =	swait.ge @!p0 [sflag:s8], $0x0  }
0x24: {  	s3 =	sadd.s32 $0x88, s3;
	s6 =	simm.s32 @!p1 $0x1082;
	[sflag:s4] =	ssyncset.s32 $0xFFFFF086  }
0x25: {  	[simem:s6], [sflag:s4] =	dma.local [hbm:s3], $0xF7A  }
0x26: {  	[smem:$0x3F9E] =	sst s1;
	(tag) =	ssettag s2;
	_ =	strace s9  }
0x27: {  	s1 =	sld [smem:$0x3FAE]  }
0x28: {  	s2 =	sld [smem:$0x3FAF]  }
0x29: {  	s4 =	sld [smem:$0x3FB1]  }
0x2a: {  	p0 =	seq.s32 s5, $0x0;
	s5 =	sld [smem:$0x3FB2]  }
0x2b: {  	s6 =	sld [smem:$0x3FB3]  }
0x2c: {  	s7 =	sld [smem:$0x3FB4]  }
0x2d: {  	s3 =	simm.s32 $0x108;
	s8 =	sld [smem:$0x3FB5]  }
0x2e: {  	s3 =	simm.s32 @!p0 $0x1082;
	s9 =	sld [smem:$0x3FB6]  }
0x2f: {  	lr =	sadd.s32 s0, s3;
	s0 =	sld [smem:$0x3FAD]  }
0x30: {  	s3 =	sld [smem:$0x3FB0]  }
0x31: {  	[smem:$0x3FB9] =	sst s10  }
0x32: {  	s10 =	sld [smem:$0x3FB7];
	_ =	sdelay $0x3  }
0x33: {  	p0 =	seq.s32 s10, $0x1;
	s10 =	sld [smem:$0x3FB9];
	_ =	sdelay $0x3  }
0x34: {  	[smem:$0x3FB9] =	sst s10  }
0x35: {  	s10 =	sld [smem:$0x3FB8];
	_ =	sdelay $0x3  }
0x36: {  	p1 =	seq.s32 s10, $0x1;
	s10 =	sld [smem:$0x3FB9];
	_ =	sdelay $0x3  }
0x37: {  	[smem:$0x3FB9] =	sst s10  }
0x38: {  	s10 =	sld [smem:$0x3FBA]  }
0x39: {  	_ = 	snop;
	(pc) =	sbr.ind lr, $3  }
0x3a: {  	_ = 	snop  }
0x3b: {  	_ = 	snop  }
0x3c: {  	p2 =	seq.s32 s10, $0x1;
	s10 =	sld [smem:$0x3FB9]  }
0x3d: {  	_ =	shalt  }
0x3e: {  	_ =	shalt  }
0x3f: {  	_ =	shalt  }
0x40: {  	_ =	shalt  }
0x41: {  	_ =	shalt  }
0x42: {  	_ =	shalt  }
0x43: {  	_ =	shalt  }
0x44: {  	_ =	shalt  }
0x45: {  	_ =	shalt  }
0x46: {  	_ =	shalt  }
0x47: {  	_ =	shalt  }
0x48: {  	_ =	shalt  }
0x49: {  	_ =	shalt  }
0x4a: {  	_ =	shalt  }
0x4b: {  	_ =	shalt  }
0x4c: {  	_ =	shalt  }
0x4d: {  	_ =	shalt  }
0x4e: {  	_ =	shalt  }
0x4f: {  	_ =	shalt  }
0x50: {  	_ =	shalt  }
0x51: {  	_ =	shalt  }
0x52: {  	_ =	shalt  }
0x53: {  	_ =	shalt  }
0x54: {  	_ =	shalt  }
0x55: {  	_ =	shalt  }
0x56: {  	_ =	shalt  }
0x57: {  	_ =	shalt  }
0x58: {  	_ =	shalt  }
0x59: {  	_ =	shalt  }
0x5a: {  	_ =	shalt  }
0x5b: {  	_ =	shalt  }
0x5c: {  	_ =	shalt  }
0x5d: {  	_ =	shalt  }
0x5e: {  	_ =	shalt  }
0x5f: {  	_ =	shalt  }
0x60: {  	_ =	shalt  }
0x61: {  	_ =	shalt  }
0x62: {  	_ =	shalt  }
0x63: {  	_ =	shalt  }
0x64: {  	_ =	shalt  }
0x65: {  	_ =	shalt  }
0x66: {  	_ =	shalt  }
0x67: {  	_ =	shalt  }
0x68: {  	_ =	shalt  }
0x69: {  	_ =	shalt  }
0x6a: {  	_ =	shalt  }
0x6b: {  	_ =	shalt  }
0x6c: {  	_ =	shalt  }
0x6d: {  	_ =	shalt  }
0x6e: {  	_ =	shalt  }
0x6f: {  	_ =	shalt  }
0x70: {  	_ =	shalt  }
0x71: {  	_ =	shalt  }
0x72: {  	_ =	shalt  }
0x73: {  	_ =	shalt  }
0x74: {  	_ =	shalt  }
0x75: {  	_ =	shalt  }
0x76: {  	_ =	shalt  }
0x77: {  	_ =	shalt  }
0x78: {  	_ =	shalt  }
0x79: {  	_ =	shalt  }
0x7a: {  	_ =	shalt  }
0x7b: {  	_ =	shalt  }
0x7c: {  	_ =	shalt  }
0x7d: {  	_ =	shalt  }
0x7e: {  	_ =	shalt  }
0x7f: {  	_ =	shalt  }
0x80: {  	_ =	shalt  }
0x81: {  	_ =	shalt  }
0x82: {  	_ =	shalt  }
0x83: {  	_ =	shalt  }
0x84: {  	_ =	shalt  }
0x85: {  	_ =	shalt  }
0x86: {  	_ =	shalt  }
0x87: {  	_ =	shalt  }
.Lfunc_end0:
.L_simem_size_0:
called_computation_lowered:
.L_overlay_start_0:
0x88: {  	s2 =	sld [smem:$0x3FD9]  }
0x89: {  	s3 =	sld [smem:$0x3FFE];
	_ =	sdelay $0x1  }
0x8a: {  	s1 =	srdreg.scid  }
0x8b: {  	s0 =	sand.u32 $0x1, s1  }
0x8c: {  	s17 =	sshll.u32 s0, $0xA;
	s2 =	sadd.s32 s3, s2  }
0x8d: {  	s2 =	sadd.s32 s2, s17  }
0x8e: {  	[smem:$0x3FC5] =	sst s2  }
0x8f: {  	_ = 	snop  }
0x90: {  	s2 =	sld [smem:$0x3FD0];
	(tm) =	ssettm $0x1  }
0x91: {  	s18 =	sld [smem:$0x3FFB];
	_ =	sdelay $0x3  }
0x92: {  	_ =	strace s18  }
0x93: {  	s3 =	sld [smem:$0x3FFC];
	_ =	sdelay $0x3  }
0x94: {  	_ =	strace s3  }
0x95: {  	s3 =	sld [smem:$0x3FFD];
	_ =	sdelay $0x3  }
0x96: {  	_ =	strace s3  }
0x97: {  	_ =	strace $0x8FFFFFFF  }
0x98: {  	s19 =	sld [smem:$0x3FDB];
	_ =	sdelay $0x1  }
0x99: {  	s4 =	simm.s32 $_scs_section_size  }
0x9a: {  	s5 =	simm.s32 $_size__tile_overlayer_lowered;
	s6 =	simm.s32 $_tile_overlayer_lowered  }
0x9b: {  	s22 =	simm.s32 $0x1BFF;
	s21 =	sshll.u32 s6, $0x1;
	s3 =	sadd.s32 s4, s19  }
0x9c: {  	s7 =	simm.s32 $0x0;
	s20 =	sshll.u32 s5, $0x1;
	s5 =	sadd.s32 s21, s3  }
0x9d: {  	[timem:s7], [sflag:s22] =	dma.local [hbm:s5], s20  }
0x9e: {  	_ =	swait.ge [sflag:s22], s20  }
0x9f: {  	s4 =	ssub.s32 $0x0, s20;
	[sflag:s22] =	ssyncset.done $0x0  }
0xa0: {  	[sflag:s22] =	ssyncadd.s32 s4;
	_ =	sdelay $0x1  }
0xa1: {  	s23 =	simm.s32 $0x1B8B  }
0xa2: {  	_ =	swait.ge [sflag:s23], $0x1  }
0xa3: {  	[sflag:s23] =	ssyncset.done $0x0  }
0xa4: {  	s25 =	simm.s32 $0x1B8E;
	s24 =	sld [smem:$0x3FFE];
	[sflag:s23] =	ssyncadd.s32 $0xFFFFFFFF  }
0xa5: {  	s26 =	simm.s32 $execute0_lowered;
	[smem:$0x3FD2] =	sst s25  }
0xa6: {  	s5 =	sshll.u32 s26, $0x1;
	_ =	strace $0x80000046;
	[dreg:$0x1] =	wrdreg $0xFFFFFFFF  }
0xa7: {  	s28 =	simm.s32 $_size_execute0_lowered;
	s3 =	sadd.s32 s3, s5;
	[dreg:$0x0] =	wrdreg $0x0  }
0xa8: {  	s5 =	sshll.u32 s28, $0x1;
	[dreg:$0x2] =	wrdreg s3  }
0xa9: {  	[dreg:$0x3] =	wrdreg s5  }
0xaa: {  	[dreg:$0x4] =	wrdreg $0xC0  }
0xab: {  	_ =	task [dreg:s7], $0x5FFFF  }
0xac: {  	[dreg:$0x1] =	wrdreg $0xFFFFFFFF  }
0xad: {  	[dreg:$0x0] =	wrdreg $0x60  }
0xae: {  	[dreg:$0x2] =	wrdreg s2  }
0xaf: {  	[dreg:$0x3] =	wrdreg s24  }
0xb0: {  	[dreg:$0x4] =	wrdreg $0x9  }
0xb1: {  	_ =	task.clear_ibuf [dreg:s7], $0x5FFFF;
	_ =	strace $0x90000046  }
0xb2: {  	s29 =	simm.s32 $0x9;
	_ =	strace $0x80000048  }
0xb3: {  	_ =	swait.ge [sflag:s29], $0x1  }
0xb4: {  	[sflag:s29] =	ssyncadd.s32 $0xFFFFFFFF  }
0xb5: {  	_ =	strace $0x90000048  }
0xb6: {  	_ =	sfence  }
0xb7: {  	s30 =	sld [smem:$0x0];
	_ =	sdelay $0x2  }
0xb8: {  	s31 =	sshll.u32 s1, $0xD;
	s1 =	sshrl.u32 s1, $0x2  }
0xb9: {  	s3 =	sand.u32 $0x4000, s31;
	s1 =	sadd.s32 s1, s30  }
0xba: {  	s0 =	sor.u32 s3, s0;
	s1 =	sshll.u32 s1, $0x11  }
0xbb: {  	s0 =	sor.u32 s1, s0  }
0xbc: {  	s0 =	sadd.s32 $0x8F2B, s0  }
0xbd: {  	[sflag:s0] =	ssyncadd.remote.s32 $0x1  }
0xbe: {  	_ =	sfence.sel $0xFFFF  }
0xbf: {  	[dreg:$0x0] =	wrdreg $0xFFFFFFFF;
	(pc) =	sbr.abs _section_cstart, $3  }
0xc0: {  	[dreg:$0x1] =	wrdreg $0xFFFFFFFF  }
0xc1: {  	_ =	task.clear_ibuf [dreg:s7], $0x2FFFF;
	_ =	strace $0x9FFFFFFF  }
0xc2: {  	(tm) =	ssettm $0x7FFFFFFF  }
0xc3: {  	_ =	shalt  }
tec
execute0_lowered:
.L_overlay_start_1:
0x0: {  	(tag) =	ssettag $0x1  }
0x1: {  	s7 =	rddreg [dreg:$0x0]  }
0x2: {  	s3 =	rddreg [dreg:$0x1];
	s1 =	simm.s32 $0x0  }
0x3: {  	[smem:$0x7FF] =	sst s1  }
0x4: {  	s0 =	rddreg [dreg:$0x2];
	v0 =	vimm.f32 $5.000000000e+00;
	_ =	strace $0x80000047  }
0x5: {  	(erf) = vrcp.f32 v0;
	v0 =	vimm.f32 $4.096000000e+03  }
0x6: {  	(erf) = vrcp.f32 v0  }
0x7: {  	s2 =	srdreg.scid;
	s13 =	simm.s32 $0x1000;
	s14 =	simm.s32 $0x2000  }
0x8: {  	s15 =	simm.s32 $0x5080;
	s16 =	simm.s32 $0x0;
	s8 =	sadd.s32 $0x800, s3  }
0x9: {  	s4 =	sand.u32 $0x1, s2;
	s9 =	sadd.s32 $0x8800, s3;
	s2 =	stileid.u32  }
0xa: {  	s5 =	ssub.s32 $0x2, s4;
	s10 =	sshll.u32 s2, $0xB;
	s4 =	sshll.u32 s4, $0xA  }
0xb: {  	s11 =	sadd.s32 $0x10800, s3;
	s6 =	sshrl.u32 s5, $0x1;
	s31 =	sor.u32 s4, s10  }
0xc: {  	s12 =	ssub.s32 s5, s6;
	s3 =	sadd.s32 s7, s31;
	s4 =	sadd.s32 s8, s31  }
0xd: {  	s10 =	sor.u32 $0x200, s31;
	s5 =	sadd.s32 s9, s31;
	s6 =	sadd.s32 s11, s31  }
0xe: {  	s7 =	sadd.s32 s7, s10;
	s8 =	sadd.s32 s8, s10;
	s9 =	sadd.s32 s9, s10;
	v0 =	vpop (erf)  }
0xf: {  	v2 =	vlaneseq.u32;
	s10 =	sadd.s32 s11, s10;
	s11 =	smax.u32 s12, $0x1;
	s12 =	simm.s32 $0x1;
	v1 =	vpop (erf)  }
.LBB2_1:
0x10: {  	[tilespmem:s1], [sflag:$0x1] =	stream.linear.gather [hbm4b:s3+s1], $0x1000, $0x38;
	[tilespmem:$0x6080] =	vst v63  }
0x11: {  	_ =	swait.ge [sflag:s12], $0x1000  }
0x12: {  	[sflag:s12] =	ssyncset.done $0x0  }
0x13: {  	[sflag:s12] =	ssyncadd.s32 $0xFFFFF000  }
0x14: {  	[tilespmem:s13], [sflag:$0x1] =	stream.linear.gather [hbm4b:s4+s1], $0x1000, $0x38;
	[tilespmem:$0x6080] =	vst v63  }
0x15: {  	_ =	swait.ge [sflag:s12], $0x1000  }
0x16: {  	[sflag:s12] =	ssyncset.done $0x0  }
0x17: {  	[sflag:s12] =	ssyncadd.s32 $0xFFFFF000  }
0x18: {  	[tilespmem:s14], [sflag:$0x1] =	stream.linear.gather [hbm4b:s5+s1], $0x1000, $0x38;
	[tilespmem:$0x6080] =	vst v63  }
0x19: {  	_ =	swait.ge [sflag:s12], $0x1000  }
0x1a: {  	[sflag:s12] =	ssyncset.done $0x0  }
0x1b: {  	s17 =	simm.s32 $0x0;
	[sflag:s12] =	ssyncadd.s32 $0xFFFFF000  }
0x1c: {  	v3 =	vld [tilespmem:s17+$0x0]  }
0x1d: {  	v4 =	vld [tilespmem:s17+$0x1000];
	_ =	sdelay $0x4  }
0x1e: {  	v3 =	vmul.f32 $8.000000110e-01, v3;
	v4 =	vmul.f32 $1.200000050e+00, v4  }
0x1f: {  	s18 =	simm.s32 $0x10;
	v5 =	vld [tilespmem:s17+$0x2000]  }
0x20: {  	v6 =	vadd.f32 v4, v3;
	v3 =	vld [tilespmem:s18+$0x0]  }
0x21: {  	v4 =	vld [tilespmem:s18+$0x1000];
	_ =	sdelay $0x2  }
0x22: {  	s19 =	simm.s32 $0x80;
	v5 =	vadd.f32 v6, v5  }
.LBB2_2:
0x23: {  	s20 =	sshra.s32 s19, $0x2;
	v6 =	vmul.f32 $8.000000110e-01, v3;
	v7 =	vld [tilespmem:s18+$0x2000];
	p0 =	sne.s32 s19, $0x3FC0  }
.Ltmp0:
0x24: {  	s19 =	sadd.s32 $0x40, s19;
	v3 =	vld [tilespmem:s20+$0x0];
	v8 =	vmul.f32 $1.200000050e+00, v4;
	[tilespmem:s17+$0x3010] =	vst v5;
	(pc) =	sbr.rel @p0 .LBB2_2-.Ltmp0, $3  }
0x25: {  	s17 =	smov.u32 s18;
	s18 =	smov.u32 s20;
	v4 =	vld [tilespmem:s20+$0x1000]  }
0x26: {  	v5 =	vadd.f32 v8, v6;
	_ =	sdelay $0x1  }
0x27: {  	v5 =	vadd.f32 v5, v7  }
0x28: {  	v6 =	vld [tilespmem:s18+$0x2000]  }
0x29: {  	v3 =	vmul.f32 $8.000000110e-01, v3;
	v4 =	vmul.f32 $1.200000050e+00, v4;
	_ =	sdelay $0x1  }
0x2a: {  	v3 =	vadd.f32 v4, v3;
	_ =	sdelay $0x1  }
0x2b: {  	v3 =	vadd.f32 v3, v6  }
0x2c: {  	[tilespmem:s17+$0x3010] =	vst v5  }
0x2d: {  	[tilespmem:s18+$0x3010] =	vst v3  }
0x2e: {  	v3 =	vld [tilespmem:$0x4000]  }
0x2f: {  	v4 =	vld.msk [tilespmem:$0x3010 ss:$0x0], $0xffff;
	_ =	sdelay $0x3  }
0x30: {  	v3 =	vbroadcast v3, $0xF  }
0x31: {  	[tilespmem:$0x3000] =	vst v4  }
0x32: {  	s20 =	simm.s32 $0x0;
	[tilespmem:$0x4010] =	vst v3  }
0x33: {  	v3 =	vld [tilespmem:s20+$0x300E]  }
0x34: {  	v4 =	vld [tilespmem:s20+$0x300F];
	_ =	sdelay $0x1  }
0x35: {  	v5 =	vld [tilespmem:s20+$0x3010]  }
0x36: {  	s19 =	simm.s32 $0x10;
	v6 =	vld [tilespmem:s20+$0x3011]  }
0x37: {  	v7 =	vld [tilespmem:s19+$0x300E]  }
0x38: {  	v3 =	vadd.f32 v4, v3;
	v4 =	vld [tilespmem:s19+$0x300F]  }
0x39: {  	v8 =	vld [tilespmem:s20+$0x3012]  }
0x3a: {  	v3 =	vadd.f32 v5, v3;
	v5 =	vld [tilespmem:s19+$0x3010]  }
0x3b: {  	s17 =	simm.s32 $0x20;
	v10 =	vld [tilespmem:s19+$0x3011]  }
0x3c: {  	v11 =	vld [tilespmem:s17+$0x300F];
	v3 =	vadd.f32 v6, v3  }
0x3d: {  	v6 =	vld [tilespmem:s17+$0x300E];
	v4 =	vadd.f32 v4, v7  }
0x3e: {  	v3 =	vadd.f32 v8, v3;
	v8 =	vld [tilespmem:s19+$0x3012]  }
0x3f: {  	v4 =	vadd.f32 v5, v4  }
0x40: {  	v18 =	vld [tilespmem:s17+$0x3010];
	v13 =	vmul.f32 v3, v0  }
0x41: {  	v9 =	vimm.f32 $-1.000000000e+00;
	v16 =	vimm.f32 $0.0e+00;
	v3 =	vadd.f32 v10, v4  }
0x42: {  	s18 =	simm.s32 $0x30;
	v12 =	vld [tilespmem:s17+$0x3011];
	v4 =	vimm.f32 $1.000000020e+30;
	v6 =	vadd.f32 v11, v6;
	v10 =	vmin.f32 v9, v13;
	[tilespmem:s20+$0x4080] =	vst v13  }
0x43: {  	v11 =	vimm.f32 $-1.000000000e+00;
	v7 =	vmin.f32 v9, v10;
	v15 =	vld [tilespmem:s18+$0x300E];
	v8 =	vadd.f32 v8, v3  }
0x44: {  	v14 =	vmin.f32 v4, v13;
	v17 =	vld [tilespmem:s18+$0x300F];
	v3 =	vadd.f32 v13, v16;
	v5 =	vmin.f32 v9, v7  }
0x45: {  	v16 =	vld [tilespmem:s17+$0x3012];
	v19 =	vadd.f32 v18, v6;
	v4 =	vmin.f32 v9, v5;
	v6 =	vmul.f32 v8, v0  }
0x46: {  	s20 =	simm.s32 $0x100;
	v18 =	vld [tilespmem:s18+$0x3010];
	v13 =	vmax.f32 v9, v13;
	v8 =	vimm.f32 $-1.000000000e+00;
	v4 =	vmax.f32 v9, v4  }
.LBB2_4:
0x47: {  	v19 =	vadd.f32 v12, v19;
	v12 =	vld [tilespmem:s18+$0x3011];
	[tilespmem:s19+$0x4080] =	vst v6;
	s19 =	smov.u32 s17  }
0x48: {  	v9 =	vmax.f32 v9, v10;
	v10 =	vmin.f32 v13, v6;
	s17 =	smov.u32 s18;
	s18 =	sshra.s32 s20, $0x2;
	p0 =	sne.s32 s20, $0x3FC0  }
.Ltmp1:
0x49: {  	v11 =	vmax.f32 v11, v7;
	v21 =	vmovc v6;
	v20 =	vadd.f32 v17, v15;
	v15 =	vld [tilespmem:s18+$0x300E];
	v7 =	vmin.f32 v9, v10;
	(pc) =	sbr.rel @p0 .LBB2_4-.Ltmp1, $4  }
0x4a: {  	s20 =	sadd.s32 $0x40, s20;
	v8 =	vmax.f32 v8, v5;
	v17 =	vld [tilespmem:s18+$0x300F];
	v6 =	vadd.f32 v16, v19;
	v5 =	vmin.f32 v11, v7  }
0x4b: {  	v14 =	vmin.f32 v14, v21;
	v3 =	vadd.f32 v21, v3;
	v16 =	vld [tilespmem:s17+$0x3012];
	v22 =	vmin.f32 v8, v5  }
0x4c: {  	v19 =	vadd.f32 v18, v20;
	v6 =	vmul.f32 v6, v0;
	v4 =	vmax.f32 v4, v22  }
0x4d: {  	v13 =	vmax.f32 v13, v21;
	v18 =	vld [tilespmem:s18+$0x3010]  }
0x4e: {  	_ = 	snop  }
0x4f: {  	v20 =	vld [tilespmem:s18+$0x3011]  }
0x50: {  	[tilespmem:s19+$0x4080] =	vst v6;
	v15 =	vadd.f32 v17, v15  }
0x51: {  	v49 =	vld [tilespmem:s18+$0x3012]  }
0x52: {  	v15 =	vadd.f32 v18, v15  }
0x53: {  	v12 =	vadd.f32 v12, v19  }
0x54: {  	v15 =	vadd.f32 v20, v15  }
0x55: {  	v12 =	vadd.f32 v16, v12  }
0x56: {  	v15 =	vadd.f32 v49, v15  }
0x57: {  	v12 =	vmul.f32 v12, v0  }
0x58: {  	v14 =	vmin.f32 v14, v6;
	v15 =	vmul.f32 v15, v0  }
0x59: {  	v50 =	vmax.f32 v13, v6;
	v14 =	vmin.f32 v14, v12  }
0x5a: {  	v51 =	vmax.f32 v50, v12;
	v14 =	vmin.f32 v14, v15  }
0x5b: {  	v52 =	vmax.f32 v51, v15;
	(xrf0) =	vmin.scan.msk.f32 $0xffff, v14  }
0x5c: {  	(xrf0) =	vmax.scan.msk.f32 $0xffff, v52;
	_ =	sdelay $0x4  }
0x5d: {  	v14, _, _ =	vpop (xrf0)  }
0x5e: {  	v53, _, _ =	vpop (xrf0)  }
0x5f: {  	v19 =	vbroadcast v53, $0xF;
	_ =	sdelay $0x1  }
0x60: {  	v54 =	vmin.f32 v13, v6;
	v9 =	vmax.f32 v9, v10;
	vm0 =	veq.f32 v52, v19  }
0x61: {  	v55 =	vmax.f32 v9, v54;
	v10 =	vmin.f32 v50, v12;
	v56 =	vmctz.xlane vm0  }
0x62: {  	v21 =	vmax.f32 v55, v10;
	v17 =	vmin.f32 v51, v15  }
0x63: {  	v22 =	vmax.f32 v21, v17;
	vm0 =	veq.s32 v56, v2  }
0x64: {  	v18 =	vsel vm0, v22, v52  }
0x65: {  	(xrf0) =	vmax.scan.msk.f32 $0xffff, v18;
	_ =	sdelay $0x5  }
0x66: {  	v57, _, _ =	vpop (xrf0)  }
0x67: {  	v20 =	vbroadcast v57, $0xF  }
0x68: {  	v7 =	vmax.f32 v11, v7;
	v9 =	vmin.f32 v9, v54  }
0x69: {  	v11 =	vmax.f32 v7, v9;
	v10 =	vmin.f32 v55, v10;
	vm1 =	veq.f32 v18, v20  }
0x6a: {  	v16 =	vmax.f32 v11, v10;
	v58 =	vmin.f32 v21, v17;
	v59 =	vmctz.xlane vm1  }
0x6b: {  	v21 =	vmax.f32 v16, v58  }
0x6c: {  	v22 =	vsel vm0, v21, v22;
	vm1 =	veq.s32 v59, v2  }
0x6d: {  	v17 =	vsel vm1, v22, v18  }
0x6e: {  	(xrf0) =	vmax.scan.msk.f32 $0xffff, v17;
	_ =	sdelay $0x5  }
0x6f: {  	v60, _, _ =	vpop (xrf0)  }
0x70: {  	v5 =	vmax.f32 v8, v5;
	v7 =	vmin.f32 v7, v9;
	v8 =	vbroadcast v60, $0xF  }
0x71: {  	v9 =	vmin.f32 v11, v10;
	v10 =	vmax.f32 v5, v7  }
0x72: {  	v61 =	vmax.f32 v10, v9;
	v11 =	vmin.f32 v16, v58;
	vm2 =	veq.f32 v17, v8  }
0x73: {  	v16 =	vmax.f32 v61, v11;
	v62 =	vmctz.xlane vm2  }
0x74: {  	v21 =	vsel vm0, v16, v21  }
0x75: {  	v63 =	vsel vm1, v21, v22;
	vm2 =	veq.s32 v62, v2  }
0x76: {  	v17 =	vsel vm2, v63, v17  }
0x77: {  	(xrf0) =	vmax.scan.msk.f32 $0xffff, v17;
	_ =	sdelay $0x2  }
0x78: {  	v5 =	vmin.f32 v5, v7  }
0x79: {  	v3 =	vadd.f32 v6, v3;
	_ =	sdelay $0x1  }
0x7a: {  	v7 =	vadd.f32 v12, v3;
	v4 =	vmax.f32 v4, v5;
	v5, _, _ =	vpop (xrf0)  }
0x7b: {  	v6 =	vmin.f32 v10, v9;
	v5 =	vbroadcast v5, $0xF  }
0x7c: {  	v4 =	vmax.f32 v4, v6;
	v7 =	vadd.f32 v15, v7;
	v6 =	vmin.f32 v61, v11  }
0x7d: {  	v4 =	vmax.f32 v4, v6;
	v3 =	vbroadcast v14, $0xF;
	vm3 =	veq.f32 v17, v5  }
0x7e: {  	v4 =	vsel vm0, v4, v16;
	v6 =	vmctz.xlane vm3  }
0x7f: {  	(xrf2) =	vadd.scan.msk.f32 $0xffff, v7;
	v9 =	vsub.f32 v19, v3;
	v4 =	vsel vm1, v4, v21  }
0x80: {  	v4 =	vsel vm2, v4, v63;
	vm14 =	veq.s32 v6, v2  }
0x81: {  	v6 =	vadd.f32 $9.999999930e-09, v9;
	v4 =	vsel vm14, v4, v17  }
0x82: {  	(xrf0) =	vmax.scan.msk.f32 $0xffff, v4  }
0x83: {  	(erf) = vrcp.f32 v6;
	v4 =	vadd.f32 $0.0e+00, v19;
	_ =	sdelay $0x1  }
0x84: {  	v4 =	vadd.f32 v20, v4;
	_ =	sdelay $0x1  }
0x85: {  	v4 =	vadd.f32 v8, v4  }
0x86: {  	v6, _, _ =	vpop (xrf0)  }
0x87: {  	v7, _, _ =	vpop (xrf2);
	v5 =	vadd.f32 v5, v4;
	v4 =	vbroadcast v6, $0xF  }
0x88: {  	v9 =	vmul.f32 $-4.096000000e+03, v3;
	v6 =	vbroadcast v7, $0xF  }
0x89: {  	v10 =	vmul.f32 $-5.000000000e+00, v3;
	v7 =	vadd.f32 v4, v5  }
0x8a: {  	[tilespmem:s17+$0x4080] =	vst v12;
	v8 =	vpop (erf);
	v6 =	vadd.f32 v9, v6  }
0x8b: {  	s17 =	simm.s32 $0x0;
	[tilespmem:s18+$0x4080] =	vst v15;
	v5 =	vmul.f32 $6.999999880e-01, v8;
	v9 =	vmul.f32 $8.000000110e-01, v8;
	v7 =	vadd.f32 v10, v7  }
0x8c: {  	v10 =	vld [tilespmem:s17+$0x4080]  }
0x8d: {  	v6 =	vmul.f32 v5, v6;
	v7 =	vmul.f32 v7, v9;
	_ =	sdelay $0x1  }
0x8e: {  	v6 =	vadd.f32 v7, v6  }
0x8f: {  	v7 =	vmul.f32 $1.500000000e+00, v8  }
0x90: {  	vm15 =	vge.f32 v10, v4;
	v6 =	vmul.f32 v6, v1  }
0x91: {  	s18 =	simm.s32 $0x10;
	v8 =	vsel vm15, v7, v5  }
0x92: {  	v9 =	vsub.f32 v10, v3;
	v10 =	vmul.f32 v8, v6;
	v8 =	vld [tilespmem:s18+$0x4080];
	_ =	sdelay $0x2  }
0x93: {  	s19 =	simm.s32 $0x80;
	v9 =	vmul.f32 v10, v9  }
.LBB2_6:
0x94: {  	p0 =	sne.s32 s19, $0x3FC0  }
.Ltmp2:
0x95: {  	s20 =	sshra.s32 s19, $0x2;
	s19 =	sadd.s32 $0x40, s19;
	vm0 =	vge.f32 v8, v4;
	[tilespmem:s17+$0x5080] =	vst v9;
	v9 =	vmov v8;
	(pc) =	sbr.rel @p0 .LBB2_6-.Ltmp2, $3  }
0x96: {  	s17 =	smov.u32 s18;
	s18 =	smov.u32 s20;
	v8 =	vld [tilespmem:s20+$0x4080];
	v10 =	vsel vm0, v7, v5  }
0x97: {  	v9 =	vsub.f32 v9, v3;
	v10 =	vmul.f32 v10, v6;
	_ =	sdelay $0x1  }
0x98: {  	v9 =	vmul.f32 v10, v9  }
0x99: {  	_ = 	snop  }
0x9a: {  	vm0 =	vge.f32 v8, v4  }
0x9b: {  	v4 =	vsel vm0, v7, v5  }
0x9c: {  	v3 =	vsub.f32 v8, v3;
	v4 =	vmul.f32 v4, v6;
	_ =	sdelay $0x1  }
0x9d: {  	v3 =	vmul.f32 v4, v3  }
0x9e: {  	[tilespmem:s17+$0x5080] =	vst v9  }
0x9f: {  	s31 =	simm.s32 $0x0;
	[tilespmem:s18+$0x5080] =	vst v3  }
0xa0: {  	[hbm4b:s6+s31] =	stream.linear.scatter [tilespmem:s15], [sflag:$0x1], $0x1000, $0x38;
	[tilespmem:$0x6080] =	vst v63  }
0xa1: {  	_ =	swait.ge [sflag:s12], $0x1000  }
0xa2: {  	[sflag:s12] =	ssyncset.done $0x0  }
0xa3: {  	[sflag:s12] =	ssyncadd.s32 $0xFFFFF000  }
0xa4: {  	[tilespmem:s31], [sflag:$0x1] =	stream.linear.gather [hbm4b:s7+s31], $0x1000, $0x38;
	[tilespmem:$0x6080] =	vst v63  }
0xa5: {  	_ =	swait.ge [sflag:s12], $0x1000  }
0xa6: {  	[sflag:s12] =	ssyncset.done $0x0  }
0xa7: {  	[sflag:s12] =	ssyncadd.s32 $0xFFFFF000  }
0xa8: {  	[tilespmem:s13], [sflag:$0x1] =	stream.linear.gather [hbm4b:s8+s31], $0x1000, $0x38;
	[tilespmem:$0x6080] =	vst v63  }
0xa9: {  	_ =	swait.ge [sflag:s12], $0x1000  }
0xaa: {  	[sflag:s12] =	ssyncset.done $0x0  }
0xab: {  	[sflag:s12] =	ssyncadd.s32 $0xFFFFF000  }
0xac: {  	[tilespmem:s14], [sflag:$0x1] =	stream.linear.gather [hbm4b:s9+s31], $0x1000, $0x38;
	[tilespmem:$0x6080] =	vst v63  }
0xad: {  	_ =	swait.ge [sflag:s12], $0x1000  }
0xae: {  	[sflag:s12] =	ssyncset.done $0x0  }
0xaf: {  	s17 =	simm.s32 $0x0;
	[sflag:s12] =	ssyncadd.s32 $0xFFFFF000  }
0xb0: {  	v3 =	vld [tilespmem:s17+$0x0]  }
0xb1: {  	v4 =	vld [tilespmem:s17+$0x1000];
	_ =	sdelay $0x4  }
0xb2: {  	v3 =	vmul.f32 $8.000000110e-01, v3;
	v4 =	vmul.f32 $1.200000050e+00, v4  }
0xb3: {  	s18 =	simm.s32 $0x10;
	v5 =	vld [tilespmem:s17+$0x2000]  }
0xb4: {  	v6 =	vadd.f32 v4, v3;
	v3 =	vld [tilespmem:s18+$0x0]  }
0xb5: {  	v4 =	vld [tilespmem:s18+$0x1000];
	_ =	sdelay $0x2  }
0xb6: {  	s19 =	simm.s32 $0x80;
	v5 =	vadd.f32 v6, v5  }
.LBB2_8:
0xb7: {  	s20 =	sshra.s32 s19, $0x2;
	v6 =	vmul.f32 $8.000000110e-01, v3;
	v7 =	vld [tilespmem:s18+$0x2000];
	p0 =	sne.s32 s19, $0x3FC0  }
.Ltmp3:
0xb8: {  	s19 =	sadd.s32 $0x40, s19;
	v3 =	vld [tilespmem:s20+$0x0];
	v8 =	vmul.f32 $1.200000050e+00, v4;
	[tilespmem:s17+$0x3010] =	vst v5;
	(pc) =	sbr.rel @p0 .LBB2_8-.Ltmp3, $3  }
0xb9: {  	s17 =	smov.u32 s18;
	s18 =	smov.u32 s20;
	v4 =	vld [tilespmem:s20+$0x1000]  }
0xba: {  	v5 =	vadd.f32 v8, v6;
	_ =	sdelay $0x1  }
0xbb: {  	v5 =	vadd.f32 v5, v7  }
0xbc: {  	v6 =	vld [tilespmem:s18+$0x2000]  }
0xbd: {  	v3 =	vmul.f32 $8.000000110e-01, v3;
	v4 =	vmul.f32 $1.200000050e+00, v4;
	_ =	sdelay $0x1  }
0xbe: {  	v3 =	vadd.f32 v4, v3;
	_ =	sdelay $0x1  }
0xbf: {  	v3 =	vadd.f32 v3, v6  }
0xc0: {  	[tilespmem:s17+$0x3010] =	vst v5  }
0xc1: {  	[tilespmem:s18+$0x3010] =	vst v3  }
0xc2: {  	v3 =	vld [tilespmem:$0x4000]  }
0xc3: {  	v4 =	vld.msk [tilespmem:$0x3010 ss:$0x0], $0xffff;
	_ =	sdelay $0x3  }
0xc4: {  	v3 =	vbroadcast v3, $0xF  }
0xc5: {  	[tilespmem:$0x3000] =	vst v4  }
0xc6: {  	s20 =	simm.s32 $0x0;
	[tilespmem:$0x4010] =	vst v3  }
0xc7: {  	v3 =	vld [tilespmem:s20+$0x300E]  }
0xc8: {  	v4 =	vld [tilespmem:s20+$0x300F];
	_ =	sdelay $0x1  }
0xc9: {  	v5 =	vld [tilespmem:s20+$0x3010]  }
0xca: {  	s19 =	simm.s32 $0x10;
	v6 =	vld [tilespmem:s20+$0x3011]  }
0xcb: {  	v7 =	vld [tilespmem:s19+$0x300E]  }
0xcc: {  	v3 =	vadd.f32 v4, v3;
	v4 =	vld [tilespmem:s19+$0x300F]  }
0xcd: {  	v8 =	vld [tilespmem:s20+$0x3012]  }
0xce: {  	v3 =	vadd.f32 v5, v3;
	v5 =	vld [tilespmem:s19+$0x3010]  }
0xcf: {  	s17 =	simm.s32 $0x20;
	v10 =	vld [tilespmem:s19+$0x3011]  }
0xd0: {  	v11 =	vld [tilespmem:s17+$0x300F];
	v3 =	vadd.f32 v6, v3  }
0xd1: {  	v6 =	vld [tilespmem:s17+$0x300E];
	v4 =	vadd.f32 v4, v7  }
0xd2: {  	v3 =	vadd.f32 v8, v3;
	v8 =	vld [tilespmem:s19+$0x3012]  }
0xd3: {  	v4 =	vadd.f32 v5, v4  }
0xd4: {  	v18 =	vld [tilespmem:s17+$0x3010];
	v13 =	vmul.f32 v3, v0  }
0xd5: {  	v9 =	vimm.f32 $-1.000000000e+00;
	v16 =	vimm.f32 $0.0e+00;
	v3 =	vadd.f32 v10, v4  }
0xd6: {  	s18 =	simm.s32 $0x30;
	v12 =	vld [tilespmem:s17+$0x3011];
	v4 =	vimm.f32 $1.000000020e+30;
	v6 =	vadd.f32 v11, v6;
	v10 =	vmin.f32 v9, v13;
	[tilespmem:s20+$0x4080] =	vst v13  }
0xd7: {  	v11 =	vimm.f32 $-1.000000000e+00;
	v7 =	vmin.f32 v9, v10;
	v15 =	vld [tilespmem:s18+$0x300E];
	v8 =	vadd.f32 v8, v3  }
0xd8: {  	v14 =	vmin.f32 v4, v13;
	v17 =	vld [tilespmem:s18+$0x300F];
	v3 =	vadd.f32 v13, v16;
	v5 =	vmin.f32 v9, v7  }
0xd9: {  	v16 =	vld [tilespmem:s17+$0x3012];
	v19 =	vadd.f32 v18, v6;
	v4 =	vmin.f32 v9, v5;
	v6 =	vmul.f32 v8, v0  }
0xda: {  	s20 =	simm.s32 $0x100;
	v18 =	vld [tilespmem:s18+$0x3010];
	v13 =	vmax.f32 v9, v13;
	v8 =	vimm.f32 $-1.000000000e+00;
	v4 =	vmax.f32 v9, v4  }
.LBB2_10:
0xdb: {  	v19 =	vadd.f32 v12, v19;
	v12 =	vld [tilespmem:s18+$0x3011];
	[tilespmem:s19+$0x4080] =	vst v6;
	s19 =	smov.u32 s17  }
0xdc: {  	v9 =	vmax.f32 v9, v10;
	v10 =	vmin.f32 v13, v6;
	s17 =	smov.u32 s18;
	s18 =	sshra.s32 s20, $0x2;
	p0 =	sne.s32 s20, $0x3FC0  }
.Ltmp4:
0xdd: {  	v11 =	vmax.f32 v11, v7;
	v21 =	vmovc v6;
	v20 =	vadd.f32 v17, v15;
	v15 =	vld [tilespmem:s18+$0x300E];
	v7 =	vmin.f32 v9, v10;
	(pc) =	sbr.rel @p0 .LBB2_10-.Ltmp4, $4  }
0xde: {  	s20 =	sadd.s32 $0x40, s20;
	v8 =	vmax.f32 v8, v5;
	v17 =	vld [tilespmem:s18+$0x300F];
	v6 =	vadd.f32 v16, v19;
	v5 =	vmin.f32 v11, v7  }
0xdf: {  	v14 =	vmin.f32 v14, v21;
	v3 =	vadd.f32 v21, v3;
	v16 =	vld [tilespmem:s17+$0x3012];
	v22 =	vmin.f32 v8, v5  }
0xe0: {  	v19 =	vadd.f32 v18, v20;
	v6 =	vmul.f32 v6, v0;
	v4 =	vmax.f32 v4, v22  }
0xe1: {  	v13 =	vmax.f32 v13, v21;
	v18 =	vld [tilespmem:s18+$0x3010]  }
0xe2: {  	_ = 	snop  }
0xe3: {  	v20 =	vld [tilespmem:s18+$0x3011]  }
0xe4: {  	[tilespmem:s19+$0x4080] =	vst v6;
	v15 =	vadd.f32 v17, v15  }
0xe5: {  	v49 =	vld [tilespmem:s18+$0x3012]  }
0xe6: {  	v15 =	vadd.f32 v18, v15  }
0xe7: {  	v12 =	vadd.f32 v12, v19  }
0xe8: {  	v15 =	vadd.f32 v20, v15  }
0xe9: {  	v12 =	vadd.f32 v16, v12  }
0xea: {  	v15 =	vadd.f32 v49, v15  }
0xeb: {  	v12 =	vmul.f32 v12, v0  }
0xec: {  	v14 =	vmin.f32 v14, v6;
	v15 =	vmul.f32 v15, v0  }
0xed: {  	v50 =	vmax.f32 v13, v6;
	v14 =	vmin.f32 v14, v12  }
0xee: {  	v51 =	vmax.f32 v50, v12;
	v14 =	vmin.f32 v14, v15  }
0xef: {  	v52 =	vmax.f32 v51, v15;
	(xrf0) =	vmin.scan.msk.f32 $0xffff, v14  }
0xf0: {  	(xrf0) =	vmax.scan.msk.f32 $0xffff, v52;
	_ =	sdelay $0x4  }
0xf1: {  	v14, _, _ =	vpop (xrf0)  }
0xf2: {  	v53, _, _ =	vpop (xrf0)  }
0xf3: {  	v19 =	vbroadcast v53, $0xF;
	_ =	sdelay $0x1  }
0xf4: {  	v54 =	vmin.f32 v13, v6;
	v9 =	vmax.f32 v9, v10;
	vm0 =	veq.f32 v52, v19  }
0xf5: {  	v55 =	vmax.f32 v9, v54;
	v10 =	vmin.f32 v50, v12;
	v56 =	vmctz.xlane vm0  }
0xf6: {  	v21 =	vmax.f32 v55, v10;
	v17 =	vmin.f32 v51, v15  }
0xf7: {  	v22 =	vmax.f32 v21, v17;
	vm0 =	veq.s32 v56, v2  }
0xf8: {  	v18 =	vsel vm0, v22, v52  }
0xf9: {  	(xrf0) =	vmax.scan.msk.f32 $0xffff, v18;
	_ =	sdelay $0x5  }
0xfa: {  	v57, _, _ =	vpop (xrf0)  }
0xfb: {  	v20 =	vbroadcast v57, $0xF  }
0xfc: {  	v7 =	vmax.f32 v11, v7;
	v9 =	vmin.f32 v9, v54  }
0xfd: {  	v11 =	vmax.f32 v7, v9;
	v10 =	vmin.f32 v55, v10;
	vm1 =	veq.f32 v18, v20  }
0xfe: {  	v16 =	vmax.f32 v11, v10;
	v58 =	vmin.f32 v21, v17;
	v59 =	vmctz.xlane vm1  }
0xff: {  	v21 =	vmax.f32 v16, v58  }
0x100: {  	v22 =	vsel vm0, v21, v22;
	vm1 =	veq.s32 v59, v2  }
0x101: {  	v17 =	vsel vm1, v22, v18  }
0x102: {  	(xrf0) =	vmax.scan.msk.f32 $0xffff, v17;
	_ =	sdelay $0x5  }
0x103: {  	v60, _, _ =	vpop (xrf0)  }
0x104: {  	v5 =	vmax.f32 v8, v5;
	v7 =	vmin.f32 v7, v9;
	v8 =	vbroadcast v60, $0xF  }
0x105: {  	v9 =	vmin.f32 v11, v10;
	v10 =	vmax.f32 v5, v7  }
0x106: {  	v61 =	vmax.f32 v10, v9;
	v11 =	vmin.f32 v16, v58;
	vm2 =	veq.f32 v17, v8  }
0x107: {  	v16 =	vmax.f32 v61, v11;
	v62 =	vmctz.xlane vm2  }
0x108: {  	v21 =	vsel vm0, v16, v21  }
0x109: {  	v63 =	vsel vm1, v21, v22;
	vm2 =	veq.s32 v62, v2  }
0x10a: {  	v17 =	vsel vm2, v63, v17  }
0x10b: {  	(xrf0) =	vmax.scan.msk.f32 $0xffff, v17;
	_ =	sdelay $0x2  }
0x10c: {  	v5 =	vmin.f32 v5, v7  }
0x10d: {  	v3 =	vadd.f32 v6, v3;
	_ =	sdelay $0x1  }
0x10e: {  	v7 =	vadd.f32 v12, v3;
	v4 =	vmax.f32 v4, v5;
	v5, _, _ =	vpop (xrf0)  }
0x10f: {  	v6 =	vmin.f32 v10, v9;
	v5 =	vbroadcast v5, $0xF  }
0x110: {  	v4 =	vmax.f32 v4, v6;
	v7 =	vadd.f32 v15, v7;
	v6 =	vmin.f32 v61, v11  }
0x111: {  	v4 =	vmax.f32 v4, v6;
	v3 =	vbroadcast v14, $0xF;
	vm3 =	veq.f32 v17, v5  }
0x112: {  	v4 =	vsel vm0, v4, v16;
	v6 =	vmctz.xlane vm3  }
0x113: {  	(xrf2) =	vadd.scan.msk.f32 $0xffff, v7;
	v9 =	vsub.f32 v19, v3;
	v4 =	vsel vm1, v4, v21  }
0x114: {  	v4 =	vsel vm2, v4, v63;
	vm14 =	veq.s32 v6, v2  }
0x115: {  	v6 =	vadd.f32 $9.999999930e-09, v9;
	v4 =	vsel vm14, v4, v17  }
0x116: {  	(xrf0) =	vmax.scan.msk.f32 $0xffff, v4  }
0x117: {  	(erf) = vrcp.f32 v6;
	v4 =	vadd.f32 $0.0e+00, v19;
	_ =	sdelay $0x1  }
0x118: {  	v4 =	vadd.f32 v20, v4;
	_ =	sdelay $0x1  }
0x119: {  	v4 =	vadd.f32 v8, v4  }
0x11a: {  	v6, _, _ =	vpop (xrf0)  }
0x11b: {  	v7, _, _ =	vpop (xrf2);
	v5 =	vadd.f32 v5, v4;
	v4 =	vbroadcast v6, $0xF  }
0x11c: {  	v9 =	vmul.f32 $-4.096000000e+03, v3;
	v6 =	vbroadcast v7, $0xF  }
0x11d: {  	v10 =	vmul.f32 $-5.000000000e+00, v3;
	v7 =	vadd.f32 v4, v5  }
0x11e: {  	[tilespmem:s17+$0x4080] =	vst v12;
	v8 =	vpop (erf);
	v6 =	vadd.f32 v9, v6  }
0x11f: {  	s17 =	simm.s32 $0x0;
	[tilespmem:s18+$0x4080] =	vst v15;
	v5 =	vmul.f32 $6.999999880e-01, v8;
	v9 =	vmul.f32 $8.000000110e-01, v8;
	v7 =	vadd.f32 v10, v7  }
0x120: {  	v10 =	vld [tilespmem:s17+$0x4080]  }
0x121: {  	v6 =	vmul.f32 v5, v6;
	v7 =	vmul.f32 v7, v9;
	_ =	sdelay $0x1  }
0x122: {  	v6 =	vadd.f32 v7, v6  }
0x123: {  	v7 =	vmul.f32 $1.500000000e+00, v8  }
0x124: {  	vm15 =	vge.f32 v10, v4;
	v6 =	vmul.f32 v6, v1  }
0x125: {  	s18 =	simm.s32 $0x10;
	v8 =	vsel vm15, v7, v5  }
0x126: {  	v9 =	vsub.f32 v10, v3;
	v10 =	vmul.f32 v8, v6;
	v8 =	vld [tilespmem:s18+$0x4080];
	_ =	sdelay $0x2  }
0x127: {  	s19 =	simm.s32 $0x80;
	v9 =	vmul.f32 v10, v9  }
.LBB2_12:
0x128: {  	p0 =	sne.s32 s19, $0x3FC0  }
.Ltmp5:
0x129: {  	s20 =	sshra.s32 s19, $0x2;
	s19 =	sadd.s32 $0x40, s19;
	vm0 =	vge.f32 v8, v4;
	[tilespmem:s17+$0x5080] =	vst v9;
	v9 =	vmov v8;
	(pc) =	sbr.rel @p0 .LBB2_12-.Ltmp5, $3  }
0x12a: {  	s17 =	smov.u32 s18;
	s18 =	smov.u32 s20;
	v8 =	vld [tilespmem:s20+$0x4080];
	v10 =	vsel vm0, v7, v5  }
0x12b: {  	v9 =	vsub.f32 v9, v3;
	v10 =	vmul.f32 v10, v6;
	_ =	sdelay $0x1  }
0x12c: {  	v9 =	vmul.f32 v10, v9  }
0x12d: {  	_ = 	snop  }
0x12e: {  	vm0 =	vge.f32 v8, v4  }
0x12f: {  	v4 =	vsel vm0, v7, v5  }
0x130: {  	v3 =	vsub.f32 v8, v3;
	v4 =	vmul.f32 v4, v6;
	_ =	sdelay $0x1  }
0x131: {  	s16 =	sadd.s32 $0x1, s16;
	v3 =	vmul.f32 v4, v3  }
0x132: {  	[tilespmem:s17+$0x5080] =	vst v9;
	p0 =	sne.s32 s16, s11  }
.Ltmp6:
0x133: {  	[tilespmem:s18+$0x5080] =	vst v3;
	(pc) =	sbr.rel @p0 .LBB2_1-.Ltmp6, $4  }
0x134: {  	[hbm4b:s10+s1] =	stream.linear.scatter [tilespmem:s15], [sflag:$0x1], $0x1000, $0x38;
	[tilespmem:$0x6080] =	vst v63  }
0x135: {  	_ =	swait.ge [sflag:s12], $0x1000  }
0x136: {  	[sflag:s12] =	ssyncset.done $0x0  }
0x137: {  	[sflag:s12] =	ssyncadd.s32 $0xFFFFF000  }
0x138: {  	_ =	sfence.sel $0x180000  }
0x139: {  	[bflag:$0x0] =	sbarrier.arrive $0xFFFF  }
0x13a: {  	p0 =	sne.s32 s2, $0x0;
	_ =	strace $0x90000047  }
0x13b: {  	s0 =	sadd.s32 @!p0 $0x100000, s0;
	[bflag:$0x2] =	sbarrier.arrive $0xFFFF  }
0x13c: {  	[sflag:s0] =	ssyncadd.tile.s32 @!p0 $0x1;
	_ =	shalt  }
.Lfunc_end2:
_tile_overlayer_lowered:
.L_overlay_start_2:
0x13d: {  	(tag) =	ssettag $0x2  }
0x13e: {  	s0 =	rddreg [dreg:$0x0];
	s2 =	stileid.u32  }
0x13f: {  	s1 =	rddreg [dreg:$0x1];
	p0 =	sne.s32 s2, $0x0  }
0x140: {  	s3 =	rddreg [dreg:$0x2];
	[bflag:$0x3] =	sbarrier.arrive $0xFFFF;
	s2 =	simm.s32 @!p0 $0x1C01  }
0x141: {  	[timem:s3], [sflag:s2] =	dma.local @!p0 [hbm:s0], s1  }
0x142: {  	s0 =	simm.s32 @!p0 $0x1  }
0x143: {  	_ =	swait.ge @!p0 [sflag:s0], s1  }
0x144: {  	s1 =	ssub.s32 @!p0 $0x0, s1;
	[sflag:s0] =	ssyncset.done @!p0 $0x0  }
0x145: {  	[sflag:s0] =	ssyncadd.s32 @!p0 s1  }
0x146: {  	[bflag:$0x3] =	sbarrier.arrive $0xFFFF  }
0x147: {  	_ =	shalt  }

</sc_bundles>
